<compile_context>
chip_gen: v7x
topology: tpu7x:2x2x1
jax: 0.10.2.dev20260603
libtpu: 0.0.44.dev20260713+nightly
codegen_flags: <defaults>
</compile_context>

<pallas_src>
import functools

import numpy as np
import jax
import jax.numpy as jnp
from jax import lax
from jax.experimental import pallas as pl
from jax.experimental.pallas import tpu as pltpu
from jax.experimental.pallas import tpu_sc as plsc

LMAX = 2
OFF = [0, 1, 4, 9]
CUTOFF = 5.0
N_NODES = 10000
N_EDGES = 320000
DIM = 128
NCH = 16
RB_DIM = 8
ZMAX = 50
NLAYERS = 3

_s3 = float(np.sqrt(3.0))
_s15 = float(np.sqrt(15.0))
_s5 = float(np.sqrt(5.0))


def _df(n):
    r = 1
    while n > 1:
        r *= n
        n -= 2
    return r


def _mono_int(a, b, c):
    if a % 2 or b % 2 or c % 2:
        return 0.0
    return 4.0 * np.pi * _df(a - 1) * _df(b - 1) * _df(c - 1) / _df(a + b + c + 1)


def _pmul(p, q):
    r = {}
    for e1, c1 in p.items():
        for e2, c2 in q.items():
            e = (e1[0] + e2[0], e1[1] + e2[1], e1[2] + e2[2])
            r[e] = r.get(e, 0.0) + c1 * c2
    return r


def _pint(p):
    return sum(c * _mono_int(*e) for e, c in p.items())


_SH_POLYS = [
    {(0, 0, 0): 1.0},
    {(0, 1, 0): _s3},
    {(0, 0, 1): _s3},
    {(1, 0, 0): _s3},
    {(1, 1, 0): _s15},
    {(0, 1, 1): _s15},
    {(2, 0, 0): -_s5 / 2, (0, 2, 0): -_s5 / 2, (0, 0, 2): _s5},
    {(1, 0, 1): _s15},
    {(2, 0, 0): _s15 / 2, (0, 2, 0): -_s15 / 2},
]

_CG9 = np.zeros((9, 9, 9))
for _i in range(9):
    for _j in range(9):
        for _k in range(9):
            _CG9[_i, _j, _k] = _pint(_pmul(_pmul(_SH_POLYS[_i], _SH_POLYS[_j]), _SH_POLYS[_k])) / (4.0 * np.pi)

_A2L = np.array([0, 1, 1, 1, 2, 2, 2, 2, 2])

_PATHS = []
for _l1 in range(3):
    for _l2 in range(3):
        for _l3 in range(3):
            _blk = _CG9[OFF[_l1]:OFF[_l1 + 1], OFF[_l2]:OFF[_l2 + 1], OFF[_l3]:OFF[_l3 + 1]]
            if np.abs(_blk).max() > 1e-10:
                _PATHS.append((_l1, _l2, _l3))
_NPATHS = len(_PATHS)
_PATH_IDX = {p: i for i, p in enumerate(_PATHS)}

_CGP = np.zeros((9, 9, 9, _NPATHS), np.float32)
for _a in range(9):
    for _b in range(9):
        for _k in range(9):
            v = _CG9[_a, _b, _k]
            if abs(v) > 1e-10:
                _CGP[_a, _b, _k, _PATH_IDX[(_A2L[_a], _A2L[_b], _A2L[_k])]] = v
_I9 = np.eye(9, dtype=np.float32)
_I16 = np.eye(16, dtype=np.float32)

F = NCH * 9

NB = 1000
EB = 2000
SC_CHUNK = 512
SC_NCHUNKS = N_EDGES // SC_CHUNK
SC_NW = 32
SC_TPW = -(-SC_NCHUNKS // 16)
NPAD = 10240
NPT = NPAD // 16



def _node_kernel(sp_ref, table_ref, wemb_ref, bemb_ref, wsl_ref, bsl_ref,
                 xi_ref, zs_ref, zd_ref):
    sp = sp_ref[...]
    ids = lax.broadcasted_iota(jnp.int32, (NB, 128), 1)
    oh = (sp == ids).astype(jnp.float32)
    enc = jnp.dot(oh, table_ref[...], preferred_element_type=jnp.float32)
    xi = jnp.dot(enc, wemb_ref[...], preferred_element_type=jnp.float32) + bemb_ref[...]
    zsd = jnp.dot(xi, wsl_ref[...], preferred_element_type=jnp.float32) + bsl_ref[...]
    xi_ref[...] = xi
    zs_ref[...] = zsd[:, :NCH]
    zd_ref[...] = zsd[:, NCH:2 * NCH]


def _node_precompute(species, params):
    table = jnp.zeros((128, 16), jnp.float32).at[:ZMAX].set(params['species_table'])
    sp2 = species.astype(jnp.int32).reshape(N_NODES, 1)
    grid = N_NODES // NB
    return pl.pallas_call(
        _node_kernel,
        grid=(grid,),
        in_specs=[
            pl.BlockSpec((NB, 1), lambda i: (i, 0)),
            pl.BlockSpec((128, 16), lambda i: (0, 0)),
            pl.BlockSpec((16, DIM), lambda i: (0, 0)),
            pl.BlockSpec((1, DIM), lambda i: (0, 0)),
            pl.BlockSpec((DIM, 2 * NCH), lambda i: (0, 0)),
            pl.BlockSpec((1, 2 * NCH), lambda i: (0, 0)),
        ],
        out_specs=[
            pl.BlockSpec((NB, DIM), lambda i: (i, 0)),
            pl.BlockSpec((NB, NCH), lambda i: (i, 0)),
            pl.BlockSpec((NB, NCH), lambda i: (i, 0)),
        ],
        out_shape=[
            jax.ShapeDtypeStruct((N_NODES, DIM), jnp.float32),
            jax.ShapeDtypeStruct((N_NODES, NCH), jnp.float32),
            jax.ShapeDtypeStruct((N_NODES, NCH), jnp.float32),
        ],
    )(sp2, table, params['W_emb'], params['b_emb'].reshape(1, DIM),
      params['W_sl'], params['b_sl'].reshape(1, 2 * NCH))



ER = N_EDGES // 128
ERB = 256


def _dij_kernel(rb_ref, sw_ref, wd_ref, bd_ref, dij_ref):
    sw = sw_ref[...]
    dij = (jnp.dot(rb_ref[...], wd_ref[...], preferred_element_type=jnp.float32)
           + bd_ref[...]) * sw
    dij_ref[...] = dij


def _y_kernel(d_ref, vx_ref, vy_ref, vz_ref, y_ref, rb_ref):
    d = d_ref[...]
    coef = np.float32(np.sqrt(2.0 / CUTOFF))
    for k in range(1, RB_DIM + 1):
        ck = np.float32(k) * np.float32(np.pi)
        s = jnp.sin(ck * d / np.float32(CUTOFF))
        rb_ref[k - 1] = (coef * s) / d
    zero8 = jnp.zeros_like(d)
    for k in range(RB_DIM, 16):
        rb_ref[k] = zero8
    inv_d = 1.0 / d
    u_x = vx_ref[...] * inv_d
    u_y = vy_ref[...] * inv_d
    u_z = vz_ref[...] * inv_d
    y_ref[0] = jnp.ones_like(d)
    y_ref[1] = _s3 * u_y
    y_ref[2] = _s3 * u_z
    y_ref[3] = _s3 * u_x
    y_ref[4] = _s15 * u_x * u_y
    y_ref[5] = _s15 * u_y * u_z
    y_ref[6] = (_s5 / 2) * (2.0 * u_z * u_z - u_x * u_x - u_y * u_y)
    y_ref[7] = _s15 * u_x * u_z
    y_ref[8] = (_s15 / 2) * (u_x * u_x - u_y * u_y)
    zero = jnp.zeros_like(d)
    for a in range(9, 16):
        y_ref[a] = zero


def _edge_feats(distances, switch, vec, params):
    d2 = distances.reshape(ER, 128)
    vx = vec[:, 0].reshape(ER, 128)
    vy = vec[:, 1].reshape(ER, 128)
    vz = vec[:, 2].reshape(ER, 128)
    row = lambda: pl.BlockSpec((ERB, 128), lambda i: (i, 0))
    y_t, rb_t = pl.pallas_call(
        _y_kernel,
        grid=(pl.cdiv(ER, ERB),),
        in_specs=[row(), row(), row(), row()],
        out_specs=[
            pl.BlockSpec((16, ERB, 128), lambda i: (0, i, 0)),
            pl.BlockSpec((16, ERB, 128), lambda i: (0, i, 0)),
        ],
        out_shape=[
            jax.ShapeDtypeStruct((16, ER, 128), jnp.float32),
            jax.ShapeDtypeStruct((16, ER, 128), jnp.float32),
        ],
    )(d2, vx, vy, vz)
    y9 = y_t.transpose(1, 2, 0).reshape(N_EDGES, 16)
    rb16 = rb_t.transpose(1, 2, 0).reshape(N_EDGES, 16)

    wd = jnp.zeros((16, 16), jnp.float32).at[:RB_DIM].set(params['W_dij'])
    dij = pl.pallas_call(
        _dij_kernel,
        grid=(N_EDGES // EB,),
        in_specs=[
            pl.BlockSpec((EB, 16), lambda i: (i, 0)),
            pl.BlockSpec((EB, 1), lambda i: (i, 0)),
            pl.BlockSpec((16, 16), lambda i: (0, 0)),
            pl.BlockSpec((1, 16), lambda i: (0, 0)),
        ],
        out_specs=pl.BlockSpec((EB, 16), lambda i: (i, 0)),
        out_shape=jax.ShapeDtypeStruct((N_EDGES, 16), jnp.float32),
    )(rb16, switch.reshape(N_EDGES, 1), wd, params['b_dij'].reshape(1, 16))
    return dij, y9



FH = 80


def _sc_body(src_hbm, dst_hbm, zd_hbm, dij_hbm, y_hbm, out_hbm,
             src_v, dst_v, zd_v, dij_v, y_v, rho_v, dens_sh, sem, sem2):
    cid = lax.axis_index("c")
    sid = lax.axis_index("s")

    def zero_body(e, carry):
        for a in range(5):
            rho_v[e, a * 16:(a + 1) * 16] = jnp.zeros((16,), jnp.float32)
        return carry
    lax.fori_loop(0, SC_CHUNK, zero_body, 0)
    pltpu.sync_copy(rho_v.at[pl.ds(0, 512)], dens_sh.at[pl.ds(sid * NPT, 512)])
    pltpu.sync_copy(rho_v.at[pl.ds(0, NPT - 512)],
                    dens_sh.at[pl.ds(sid * NPT + 512, NPT - 512)])
    plsc.subcore_barrier()

    def chunk_body(t, carry):
        chunk = sid + 16 * t

        @pl.when(chunk < SC_NCHUNKS)
        def _():
            pltpu.sync_copy(dst_hbm.at[chunk], dst_v)
            base8 = chunk * (SC_CHUNK // 8)
            gathers = [
                pltpu.async_copy(zd_hbm.at[dst_v.at[j]],
                                 zd_v.at[pl.ds(j * 128, 128)], sem)
                for j in range(4)
            ]
            lin = [
                pltpu.async_copy(src_hbm.at[chunk], src_v, sem2),
                pltpu.async_copy(dij_hbm.at[pl.ds(base8, SC_CHUNK // 8)], dij_v, sem2),
                pltpu.async_copy(y_hbm.at[pl.ds(base8, SC_CHUNK // 8)], y_v, sem2),
            ]
            for c in gathers:
                c.wait()
            for c in lin:
                c.wait()

            @pl.when(cid == 0)
            def _():
                def edge_body(e, c2):
                    r = e // 8
                    c0 = (e % 8) * 16
                    t16 = zd_v[e] * dij_v[r, pl.ds(c0, 16)]
                    yrow = y_v[r, pl.ds(c0, 16)]
                    for a in range(4):
                        rho_v[e, a * 16:(a + 1) * 16] = t16 * yrow[a]
                    return c2
                lax.fori_loop(0, SC_CHUNK, edge_body, 0)

            @pl.when(cid == 1)
            def _():
                def edge_body(e, c2):
                    r = e // 8
                    c0 = (e % 8) * 16
                    t16 = zd_v[e] * dij_v[r, pl.ds(c0, 16)]
                    yrow = y_v[r, pl.ds(c0, 16)]
                    for a in range(5):
                        rho_v[e, a * 16:(a + 1) * 16] = t16 * yrow[a + 4]
                    return c2
                lax.fori_loop(0, SC_CHUNK, edge_body, 0)

            scat = [
                pltpu.async_copy(rho_v.at[pl.ds(j * 128, 128)],
                                 dens_sh.at[src_v.at[j]], sem2, add=True)
                for j in range(4)
            ]
            for c in scat:
                c.wait()
        return carry
    lax.fori_loop(0, SC_TPW, chunk_body, 0)

    plsc.subcore_barrier()
    pltpu.sync_copy(dens_sh.at[pl.ds(sid * NPT, NPT)],
                    out_hbm.at[cid, pl.ds(sid * NPT, NPT)])


def _sc_density(edge_src, edge_dst, zd, dij, y9):
    src3 = edge_src.astype(jnp.int32).reshape(SC_NCHUNKS, 4, 128)
    dst3 = edge_dst.astype(jnp.int32).reshape(SC_NCHUNKS, 4, 128)
    mesh = plsc.VectorSubcoreMesh(core_axis_name="c", subcore_axis_name="s")
    fn = functools.partial(
        pl.kernel,
        out_type=jax.ShapeDtypeStruct((2, NPAD, FH), jnp.float32),
        mesh=mesh,
        compiler_params=pltpu.CompilerParams(use_tc_tiling_on_sc=False),
        scratch_types=[
            pltpu.VMEM((4, 128), jnp.int32),
            pltpu.VMEM((4, 128), jnp.int32),
            pltpu.VMEM((SC_CHUNK, 16), jnp.float32),
            pltpu.VMEM((SC_CHUNK // 8, 128), jnp.float32),
            pltpu.VMEM((SC_CHUNK // 8, 128), jnp.float32),
            pltpu.VMEM((SC_CHUNK, FH), jnp.float32),
            pltpu.VMEM_SHARED((NPAD, FH), jnp.float32),
            pltpu.SemaphoreType.DMA,
            pltpu.SemaphoreType.DMA,
        ],
    )(_sc_body)
    return fn(src3, dst3, zd, dij.reshape(N_EDGES // 8, 128),
              y9.reshape(N_EDGES // 8, 128))



def _mix_big(w):
    wrep = w[jnp.asarray(_A2L)]
    big = wrep[:, :, None, :] * _I9[:, None, :, None]
    return big.reshape(F, F)


def _tp_mats(w_tp):
    w3 = jnp.einsum('abkp,cp->abkc', _CGP, w_tp)
    t = w3.transpose(0, 1, 3, 2)
    big = t[:, :, :, :, None] * _I16[None, None, :, None, :]
    return big.reshape(9, F, F)


def _layers_kernel(d0_ref, d1_ref, xi_ref, zs_ref, wsh_ref, wmi_ref,
                   wd_ref, ma_ref, w1_ref, b1_ref, w2_ref, b2_ref, wm_ref,
                   xo_ref, vo_ref):
    den = jnp.concatenate([d0_ref[0][:, :64], d1_ref[0]], axis=1)
    zs9 = jnp.tile(zs_ref[...], (1, 9))
    density = den * zs9 * wsh_ref[...]
    vi = jnp.dot(density, wmi_ref[...], preferred_element_type=jnp.float32)
    xi = xi_ref[...]
    for l in range(NLAYERS):
        hi = jnp.dot(density, wd_ref[l], preferred_element_type=jnp.float32)
        li = jnp.zeros((NB, F), jnp.float32)
        for a in range(9):
            via = jnp.tile(vi[:, a * 16:(a + 1) * 16], (1, 9))
            li = li + via * jnp.dot(hi, ma_ref[l, a], preferred_element_type=jnp.float32)
        scals = li[:, :16]
        cat = jnp.concatenate([xi, scals], axis=1)
        h = jnp.dot(cat, w1_ref[l], preferred_element_type=jnp.float32) + b1_ref[l]
        h = h * jax.nn.sigmoid(h)
        xi = xi + jnp.dot(h, w2_ref[l], preferred_element_type=jnp.float32) + b2_ref[l]
        vi = vi + jnp.dot(li, wm_ref[l], preferred_element_type=jnp.float32)
    xo_ref[...] = xi
    vo_ref[...] = vi


def _layers(den, xi0, zs, params):
    wsh9 = params['wsh'].T[jnp.asarray(_A2L)].reshape(1, F)
    wmi = _mix_big(params['w_mix_init'])
    wd = jnp.stack([_mix_big(params['w_dens_mix_%d' % l]) for l in range(NLAYERS)])
    ma = jnp.stack([_tp_mats(params['w_tp_%d' % l]) for l in range(NLAYERS)])
    w1 = jnp.stack([params['W_lat1_%d' % l] for l in range(NLAYERS)])
    b1 = jnp.stack([params['b_lat1_%d' % l].reshape(1, DIM) for l in range(NLAYERS)])
    w2 = jnp.stack([params['W_lat2_%d' % l] for l in range(NLAYERS)])
    b2 = jnp.stack([params['b_lat2_%d' % l].reshape(1, DIM) for l in range(NLAYERS)])
    wm = jnp.stack([_mix_big(params['w_mix_%d' % l]) for l in range(NLAYERS)])
    grid = N_NODES // NB
    full = lambda *s: pl.BlockSpec(s, lambda i: tuple(0 for _ in s))
    return pl.pallas_call(
        _layers_kernel,
        grid=(grid,),
        in_specs=[
            pl.BlockSpec((1, NB, FH), lambda i: (0, i, 0)),
            pl.BlockSpec((1, NB, FH), lambda i: (1, i, 0)),
            pl.BlockSpec((NB, DIM), lambda i: (i, 0)),
            pl.BlockSpec((NB, NCH), lambda i: (i, 0)),
            full(1, F),
            full(F, F),
            full(NLAYERS, F, F),
            full(NLAYERS, 9, F, F),
            full(NLAYERS, F, DIM),
            full(NLAYERS, 1, DIM),
            full(NLAYERS, DIM, DIM),
            full(NLAYERS, 1, DIM),
            full(NLAYERS, F, F),
        ],
        out_specs=[
            pl.BlockSpec((NB, DIM), lambda i: (i, 0)),
            pl.BlockSpec((NB, F), lambda i: (i, 0)),
        ],
        out_shape=[
            jax.ShapeDtypeStruct((N_NODES, DIM), jnp.float32),
            jax.ShapeDtypeStruct((N_NODES, F), jnp.float32),
        ],
    )(den, den, xi0, zs, wsh9, wmi, wd, ma, w1, b1, w2, b2, wm)


def kernel(species, edge_src, edge_dst, vec, distances, switch, params):
    xi0, zs, zd = _node_precompute(species, params)
    dij, y9 = _edge_feats(distances, switch, vec, params)
    den = _sc_density(edge_src, edge_dst, zd, dij, y9)
    xi, vi_am = _layers(den, xi0, zs, params)
    vi = vi_am.reshape(N_NODES, 9, NCH).transpose(0, 2, 1)
    return xi, vi

# --- scband reference (transcript-rebuilt; emitter-appended) ---
"""Pipeline reference for scband-caiman-embedding-57750130262476 (READ-ONLY COPY).

The authoritative reference and input builder live on the scoring server;
editing this copy changes nothing except your own understanding.
"""

import jax, jax.numpy as jnp
import numpy as np

LMAX = 2
NEL = 9
OFF = [0, 1, 4, 9]
CUTOFF = 5.0
N_NODES = 10000
N_EDGES = 320000
DIM = 128
NCH = 16
ENC_DIM = 16
RB_DIM = 8
ZMAX = 50
NLAYERS = 3

def _df(n):
    r = 1
    while n > 1:
        r *= n
        n -= 2
    return r

def _mono_int(a, b, c):
    if a % 2 or b % 2 or c % 2:
        return 0.0
    return 4.0 * np.pi * _df(a - 1) * _df(b - 1) * _df(c - 1) / _df(a + b + c + 1)

def _pmul(p, q):
    r = {}
    for e1, c1 in p.items():
        for e2, c2 in q.items():
            e = (e1[0] + e2[0], e1[1] + e2[1], e1[2] + e2[2])
            r[e] = r.get(e, 0.0) + c1 * c2
    return r

def _pint(p):
    return sum(c * _mono_int(*e) for e, c in p.items())

_s3 = float(np.sqrt(3.0)); _s15 = float(np.sqrt(15.0)); _s5 = float(np.sqrt(5.0))
SH_POLYS = [
    {(0, 0, 0): 1.0},
    {(0, 1, 0): _s3},
    {(0, 0, 1): _s3},
    {(1, 0, 0): _s3},
    {(1, 1, 0): _s15},
    {(0, 1, 1): _s15},
    {(2, 0, 0): -_s5 / 2, (0, 2, 0): -_s5 / 2, (0, 0, 2): _s5},
    {(1, 0, 1): _s15},
    {(2, 0, 0): _s15 / 2, (0, 2, 0): -_s15 / 2},
]

_CG = np.zeros((9, 9, 9))
for _i in range(9):
    for _j in range(9):
        for _k in range(9):
            _CG[_i, _j, _k] = _pint(_pmul(_pmul(SH_POLYS[_i], SH_POLYS[_j]), SH_POLYS[_k])) / (4.0 * np.pi)

CG_PATHS = []
for _l1 in range(3):
    for _l2 in range(3):
        for _l3 in range(3):
            _blk = _CG[OFF[_l1]:OFF[_l1 + 1], OFF[_l2]:OFF[_l2 + 1], OFF[_l3]:OFF[_l3 + 1]]
            if np.abs(_blk).max() > 1e-10:
                CG_PATHS.append((_l1, _l2, _l3, jnp.asarray(_blk, dtype=jnp.float32)))
NPATHS = len(CG_PATHS)

_NREP = jnp.asarray([1, 3, 5])

def spherical_harmonics(u):
    x, y, z = u[:, 0], u[:, 1], u[:, 2]
    return jnp.stack([
        jnp.ones_like(x),
        _s3 * y, _s3 * z, _s3 * x,
        _s15 * x * y, _s15 * y * z, (_s5 / 2) * (2 * z * z - x * x - y * y),
        _s15 * x * z, (_s15 / 2) * (x * x - y * y),
    ], axis=-1)

def channel_mixing(x, w):
    wrep = jnp.repeat(w, _NREP, axis=0, total_repeat_length=9)
    return jnp.einsum('nik,kio->nok', x, wrep)

def filtered_tp(x, y, w):
    out = jnp.zeros_like(x)
    for p in range(len(CG_PATHS)):
        l1, l2, l3, blk = CG_PATHS[p]
        c = jnp.einsum('nca,ncb,abk->nck', x[:, :, OFF[l1]:OFF[l1 + 1]], y[:, :, OFF[l2]:OFF[l2 + 1]], blk)
        out = out.at[:, :, OFF[l3]:OFF[l3 + 1]].add(w[:, p][None, :, None] * c)
    return out

def caiman_forward(species, edge_src, edge_dst, vec, distances, switch, params):
    N = species.shape[0]
    sw = switch[:, None]
    n = jnp.arange(1, RB_DIM + 1, dtype=jnp.float32)
    rb = jnp.sqrt(2.0 / CUTOFF) * jnp.sin(n[None, :] * jnp.pi * distances[:, None] / CUTOFF) / distances[:, None]
    Dij = (rb @ params['W_dij'] + params['b_dij']) * sw
    enc = params['species_table'][species]
    xi = enc @ params['W_emb'] + params['b_emb']
    Zs, Zd = jnp.split(xi @ params['W_sl'] + params['b_sl'], 2, axis=-1)
    xij = Zs[edge_src] * Zd[edge_dst] * Dij
    u = vec / distances[:, None]
    Yij = spherical_harmonics(u)[:, None, :]
    rhoij = xij[:, :, None] * Yij
    wsh = jnp.repeat(params['wsh'], _NREP, axis=-1, total_repeat_length=9)
    density = jax.ops.segment_sum(rhoij, edge_src, N) * wsh[None, :, :]
    Vi = channel_mixing(density, params['w_mix_init'])
    for layer in range(NLAYERS):
        Hi = channel_mixing(density, params['w_dens_mix_%d' % layer])
        Li = filtered_tp(Vi, Hi, params['w_tp_%d' % layer])
        scals = Li[..., 0]
        h = jax.nn.silu(jnp.concatenate((xi, scals), axis=-1) @ params['W_lat1_%d' % layer] + params['b_lat1_%d' % layer])
        li = h @ params['W_lat2_%d' % layer] + params['b_lat2_%d' % layer]
        xi = xi + li
        Vi = Vi + channel_mixing(Li, params['w_mix_%d' % layer])
    return xi, Vi

def setup_inputs():
    key = jax.random.PRNGKey(0)
    ks = jax.random.split(key, 32)
    species = jax.random.randint(ks[0], (N_NODES,), 1, ZMAX)
    edge_src = jnp.sort(jax.random.randint(ks[1], (N_EDGES,), 0, N_NODES))
    edge_dst = jax.random.randint(ks[2], (N_EDGES,), 0, N_NODES)
    dirs = jax.random.normal(ks[3], (N_EDGES, 3), dtype=jnp.float32)
    dirs = dirs / jnp.linalg.norm(dirs, axis=1, keepdims=True)
    distances = jax.random.uniform(ks[4], (N_EDGES,), minval=0.5, maxval=4.9, dtype=jnp.float32)
    vec = dirs * distances[:, None]
    switch = 0.5 * (jnp.cos(jnp.pi * distances / CUTOFF) + 1.0)
    def dense(k, i, o):
        return (jax.random.normal(k, (i, o), dtype=jnp.float32) / np.sqrt(i)).astype(jnp.float32)
    params = {
        'species_table': jax.random.normal(ks[5], (ZMAX, ENC_DIM), dtype=jnp.float32),
        'W_dij': dense(ks[6], RB_DIM, NCH), 'b_dij': jnp.zeros((NCH,), jnp.float32),
        'W_emb': dense(ks[7], ENC_DIM, DIM), 'b_emb': jnp.zeros((DIM,), jnp.float32),
        'W_sl': dense(ks[8], DIM, 2 * NCH), 'b_sl': jnp.zeros((2 * NCH,), jnp.float32),
        'wsh': jax.random.normal(ks[9], (NCH, 3), dtype=jnp.float32),
        'w_mix_init': jax.random.normal(ks[10], (3, NCH, NCH), dtype=jnp.float32) / np.sqrt(NCH),
    }
    ki = 11
    for layer in range(NLAYERS):
        params['w_dens_mix_%d' % layer] = jax.random.normal(ks[ki], (3, NCH, NCH), dtype=jnp.float32) / np.sqrt(NCH); ki += 1
        params['w_tp_%d' % layer] = jax.random.normal(ks[ki], (NCH, NPATHS), dtype=jnp.float32) / np.sqrt(NPATHS); ki += 1
        params['W_lat1_%d' % layer] = dense(ks[ki], DIM + NCH, DIM); ki += 1
        params['b_lat1_%d' % layer] = jnp.zeros((DIM,), jnp.float32)
        params['W_lat2_%d' % layer] = dense(ks[ki], DIM, DIM); ki += 1
        params['b_lat2_%d' % layer] = jnp.zeros((DIM,), jnp.float32)
        params['w_mix_%d' % layer] = jax.random.normal(ks[ki], (3, NCH, NCH), dtype=jnp.float32) / np.sqrt(NCH); ki += 1
    return {'species': species, 'edge_src': edge_src, 'edge_dst': edge_dst, 'vec': vec, 'distances': distances, 'switch': switch, 'params': params}

def reference(species, edge_src, edge_dst, vec, distances, switch, params):
    return caiman_forward(species, edge_src, edge_dst, vec, distances, switch, params)

if __name__ == "__main__":
    import jax
    _d = setup_inputs()
    print(jax.jit(kernel)(*tuple(_d.values())))

</pallas_src>

<mosaic_0001>
#map = affine_map<(d0, d1) -> (0, 0, 0)>
#map1 = affine_map<(d0, d1) -> (0, 0)>
module attributes {stable_mosaic.version = 14 : i64} {
  func.func @_sc_body(%arg0: i32, %arg1: i32, %arg2: memref<625x4x128xi32, #tpu.memory_space<hbm>>, %arg3: memref<625x4x128xi32, #tpu.memory_space<hbm>>, %arg4: memref<10000x16xf32, #tpu.memory_space<hbm>>, %arg5: memref<40000x128xf32, #tpu.memory_space<hbm>>, %arg6: memref<40000x128xf32, #tpu.memory_space<hbm>>, %arg7: memref<2x10240x80xf32, #tpu.memory_space<hbm>>, %arg8: memref<4x128xi32, #tpu.memory_space<vmem>>, %arg9: memref<4x128xi32, #tpu.memory_space<vmem>>, %arg10: memref<512x16xf32, #tpu.memory_space<vmem>>, %arg11: memref<64x128xf32, #tpu.memory_space<vmem>>, %arg12: memref<64x128xf32, #tpu.memory_space<vmem>>, %arg13: memref<512x80xf32, #tpu.memory_space<vmem>>, %arg14: memref<10240x80xf32, #tpu.memory_space<vmem_shared>>, %arg15: memref<!tpu.dma_semaphore, #tpu.memory_space<semaphore_mem>>, %arg16: memref<!tpu.dma_semaphore, #tpu.memory_space<semaphore_mem>>) attributes {dimension_semantics = [#tpu.dimension_semantics<core_parallel>, #tpu.dimension_semantics<subcore_parallel>], iteration_bounds = array<i64: 2, 16>, scalar_prefetch = 0 : i64, scratch_operands = 9 : i64, tpu.core_type = #tpu.core_type<sc_vector_subcore>, window_params = [{transform_indices = #map}, {transform_indices = #map}, {transform_indices = #map1}, {transform_indices = #map1}, {transform_indices = #map1}, {transform_indices = #map}]} {
    %scan3A = arith.constant 0 : i32
    %scan3A_0 = arith.constant 0 : i32
    %scan3A_1 = arith.constant 512 : i32
    %scan3A_2 = arith.addi %scan3A_0, %scan3A_1 : i32
    %scan3A_3 = arith.constant 1 : i32
    scf.for %scan3A_20 = %scan3A_0 to %scan3A_2 step %scan3A_3  : i32 {
      %broadcast_in_dim3A = arith.constant 0.000000e+00 : f32
      %broadcast_in_dim3A_21 = vector.broadcast %broadcast_in_dim3A : f32 to vector<16xf32>
      %swap3A = arith.index_cast %scan3A_20 : i32 to index
      %swap3A_22 = arith.constant 0 : index
      %swap3A_23 = tpu.vector_load %arg13[%swap3A, %swap3A_22] {strides = array<i32>} : memref<512x80xf32, #tpu.memory_space<vmem>>, vector<1x16xf32>,
      %swap3A_24 = vector.shape_cast %swap3A_23 : vector<1x16xf32> to vector<16xf32>
      %swap3A_25 = vector.shape_cast %broadcast_in_dim3A_21 : vector<16xf32> to vector<1x16xf32>
      tpu.vector_store %arg13[%swap3A, %swap3A_22], %swap3A_25 {strides = array<i32>} : memref<512x80xf32, #tpu.memory_space<vmem>>, vector<1x16xf32>,
      %broadcast_in_dim3A_26 = arith.constant 0.000000e+00 : f32
      %broadcast_in_dim3A_27 = vector.broadcast %broadcast_in_dim3A_26 : f32 to vector<16xf32>
      %swap3A_28 = arith.index_cast %scan3A_20 : i32 to index
      %swap3A_29 = arith.constant 16 : index
      %swap3A_30 = tpu.vector_load %arg13[%swap3A_28, %swap3A_29] {strides = array<i32>} : memref<512x80xf32, #tpu.memory_space<vmem>>, vector<1x16xf32>,
      %swap3A_31 = vector.shape_cast %swap3A_30 : vector<1x16xf32> to vector<16xf32>
      %swap3A_32 = vector.shape_cast %broadcast_in_dim3A_27 : vector<16xf32> to vector<1x16xf32>
      tpu.vector_store %arg13[%swap3A_28, %swap3A_29], %swap3A_32 {strides = array<i32>} : memref<512x80xf32, #tpu.memory_space<vmem>>, vector<1x16xf32>,
      %broadcast_in_dim3A_33 = arith.constant 0.000000e+00 : f32
      %broadcast_in_dim3A_34 = vector.broadcast %broadcast_in_dim3A_33 : f32 to vector<16xf32>
      %swap3A_35 = arith.index_cast %scan3A_20 : i32 to index
      %swap3A_36 = arith.constant 32 : index
      %swap3A_37 = tpu.vector_load %arg13[%swap3A_35, %swap3A_36] {strides = array<i32>} : memref<512x80xf32, #tpu.memory_space<vmem>>, vector<1x16xf32>,
      %swap3A_38 = vector.shape_cast %swap3A_37 : vector<1x16xf32> to vector<16xf32>
      %swap3A_39 = vector.shape_cast %broadcast_in_dim3A_34 : vector<16xf32> to vector<1x16xf32>
      tpu.vector_store %arg13[%swap3A_35, %swap3A_36], %swap3A_39 {strides = array<i32>} : memref<512x80xf32, #tpu.memory_space<vmem>>, vector<1x16xf32>,
      %broadcast_in_dim3A_40 = arith.constant 0.000000e+00 : f32
      %broadcast_in_dim3A_41 = vector.broadcast %broadcast_in_dim3A_40 : f32 to vector<16xf32>
      %swap3A_42 = arith.index_cast %scan3A_20 : i32 to index
      %swap3A_43 = arith.constant 48 : index
      %swap3A_44 = tpu.vector_load %arg13[%swap3A_42, %swap3A_43] {strides = array<i32>} : memref<512x80xf32, #tpu.memory_space<vmem>>, vector<1x16xf32>,
      %swap3A_45 = vector.shape_cast %swap3A_44 : vector<1x16xf32> to vector<16xf32>
      %swap3A_46 = vector.shape_cast %broadcast_in_dim3A_41 : vector<16xf32> to vector<1x16xf32>
      tpu.vector_store %arg13[%swap3A_42, %swap3A_43], %swap3A_46 {strides = array<i32>} : memref<512x80xf32, #tpu.memory_space<vmem>>, vector<1x16xf32>,
      %broadcast_in_dim3A_47 = arith.constant 0.000000e+00 : f32
      %broadcast_in_dim3A_48 = vector.broadcast %broadcast_in_dim3A_47 : f32 to vector<16xf32>
      %swap3A_49 = arith.index_cast %scan3A_20 : i32 to index
      %swap3A_50 = arith.constant 64 : index
      %swap3A_51 = tpu.vector_load %arg13[%swap3A_49, %swap3A_50] {strides = array<i32>} : memref<512x80xf32, #tpu.memory_space<vmem>>, vector<1x16xf32>,
      %swap3A_52 = vector.shape_cast %swap3A_51 : vector<1x16xf32> to vector<16xf32>
      %swap3A_53 = vector.shape_cast %broadcast_in_dim3A_48 : vector<16xf32> to vector<1x16xf32>
      tpu.vector_store %arg13[%swap3A_49, %swap3A_50], %swap3A_53 {strides = array<i32>} : memref<512x80xf32, #tpu.memory_space<vmem>>, vector<1x16xf32>,
    }
    %scan3A_4 = arith.constant 512 : i32
    %mul3A = arith.constant 640 : i32
    %mul3A_5 = arith.muli %arg1, %mul3A : i32
    "tpu.region"() ({
      %run_scoped3A = tpu.sem_alloc : memref<!tpu.dma_semaphore, #tpu.memory_space<semaphore_mem>>
      %dma_start3A = arith.constant 0 : i32
      %dma_start3A_20 = arith.constant 0 : i32
      %dma_start3A_21 = tpu.memref_slice %arg13[%dma_start3A, %dma_start3A_20] : memref<512x80xf32, #tpu.memory_space<vmem>> -> memref<512x80xf32, #tpu.memory_space<vmem>>
      %dma_start3A_22 = arith.constant 0 : i32
      %dma_start3A_23 = tpu.memref_slice %arg14[%mul3A_5, %dma_start3A_22] : memref<10240x80xf32, #tpu.memory_space<vmem_shared>> -> memref<512x80xf32, #tpu.memory_space<vmem_shared>>
      %dma_start3A_24 = arith.constant 0 : i32
      %dma_start3A_25 = tpu.memref_slice %arg14[%mul3A_5, %dma_start3A_24] : memref<10240x80xf32, #tpu.memory_space<vmem_shared>> -> memref<512x80xf32, #tpu.memory_space<vmem_shared>>
      %dma_start3A_26 = arith.constant 0 : i32
      %dma_start3A_27 = arith.constant 0 : i32
      %dma_start3A_28 = tpu.memref_slice %arg13[%dma_start3A_26, %dma_start3A_27] : memref<512x80xf32, #tpu.memory_space<vmem>> -> memref<512x80xf32, #tpu.memory_space<vmem>>
      tpu.enqueue_dma source(%dma_start3A_28 : memref<512x80xf32, #tpu.memory_space<vmem>>) target(%dma_start3A_25 : memref<512x80xf32, #tpu.memory_space<vmem_shared>>) target_semaphore(%run_scoped3A : memref<!tpu.dma_semaphore, #tpu.memory_space<semaphore_mem>>)
      %dma_wait3A = arith.constant 0 : i32
      %dma_wait3A_29 = arith.constant 0 : i32
      %dma_wait3A_30 = tpu.memref_slice %arg13[%dma_wait3A, %dma_wait3A_29] : memref<512x80xf32, #tpu.memory_space<vmem>> -> memref<512x80xf32, #tpu.memory_space<vmem>>
      %dma_wait3A_31 = arith.constant 0 : i32
      %dma_wait3A_32 = tpu.memref_slice %arg14[%mul3A_5, %dma_wait3A_31] : memref<10240x80xf32, #tpu.memory_space<vmem_shared>> -> memref<512x80xf32, #tpu.memory_space<vmem_shared>>
      %dma_wait3A_33 = arith.constant 0 : i32
      %dma_wait3A_34 = tpu.memref_slice %arg14[%mul3A_5, %dma_wait3A_33] : memref<10240x80xf32, #tpu.memory_space<vmem_shared>> -> memref<512x80xf32, #tpu.memory_space<vmem_shared>>
      %dma_wait3A_35 = arith.constant 0 : i32
      %dma_wait3A_36 = arith.constant 0 : i32
      %dma_wait3A_37 = tpu.memref_slice %arg13[%dma_wait3A_35, %dma_wait3A_36] : memref<512x80xf32, #tpu.memory_space<vmem>> -> memref<512x80xf32, #tpu.memory_space<vmem>>
      tpu.wait_dma2 semaphore(%run_scoped3A : memref<!tpu.dma_semaphore, #tpu.memory_space<semaphore_mem>>) src(%dma_wait3A_37 : memref<512x80xf32, #tpu.memory_space<vmem>>) dst(%dma_wait3A_34 : memref<512x80xf32, #tpu.memory_space<vmem_shared>>)
      tpu.yield
    }) : () -> ()
    %mul3A_6 = arith.constant 640 : i32
    %mul3A_7 = arith.muli %arg1, %mul3A_6 : i32
    %add3A = arith.constant 512 : i32
    %add3A_8 = arith.addi %mul3A_7, %add3A : i32
    "tpu.region"() ({
      %run_scoped3A = tpu.sem_alloc : memref<!tpu.dma_semaphore, #tpu.memory_space<semaphore_mem>>
      %dma_start3A = arith.constant 0 : i32
      %dma_start3A_20 = arith.constant 0 : i32
      %dma_start3A_21 = tpu.memref_slice %arg13[%dma_start3A, %dma_start3A_20] : memref<512x80xf32, #tpu.memory_space<vmem>> -> memref<128x80xf32, #tpu.memory_space<vmem>>
      %dma_start3A_22 = arith.constant 0 : i32
      %dma_start3A_23 = tpu.memref_slice %arg14[%add3A_8, %dma_start3A_22] : memref<10240x80xf32, #tpu.memory_space<vmem_shared>> -> memref<128x80xf32, #tpu.memory_space<vmem_shared>>
      %dma_start3A_24 = arith.constant 0 : i32
      %dma_start3A_25 = tpu.memref_slice %arg14[%add3A_8, %dma_start3A_24] : memref<10240x80xf32, #tpu.memory_space<vmem_shared>> -> memref<128x80xf32, #tpu.memory_space<vmem_shared>>
      %dma_start3A_26 = arith.constant 0 : i32
      %dma_start3A_27 = arith.constant 0 : i32
      %dma_start3A_28 = tpu.memref_slice %arg13[%dma_start3A_26, %dma_start3A_27] : memref<512x80xf32, #tpu.memory_space<vmem>> -> memref<128x80xf32, #tpu.memory_space<vmem>>
      tpu.enqueue_dma source(%dma_start3A_28 : memref<128x80xf32, #tpu.memory_space<vmem>>) target(%dma_start3A_25 : memref<128x80xf32, #tpu.memory_space<vmem_shared>>) target_semaphore(%run_scoped3A : memref<!tpu.dma_semaphore, #tpu.memory_space<semaphore_mem>>)
      %dma_wait3A = arith.constant 0 : i32
      %dma_wait3A_29 = arith.constant 0 : i32
      %dma_wait3A_30 = tpu.memref_slice %arg13[%dma_wait3A, %dma_wait3A_29] : memref<512x80xf32, #tpu.memory_space<vmem>> -> memref<128x80xf32, #tpu.memory_space<vmem>>
      %dma_wait3A_31 = arith.constant 0 : i32
      %dma_wait3A_32 = tpu.memref_slice %arg14[%add3A_8, %dma_wait3A_31] : memref<10240x80xf32, #tpu.memory_space<vmem_shared>> -> memref<128x80xf32, #tpu.memory_space<vmem_shared>>
      %dma_wait3A_33 = arith.constant 0 : i32
      %dma_wait3A_34 = tpu.memref_slice %arg14[%add3A_8, %dma_wait3A_33] : memref<10240x80xf32, #tpu.memory_space<vmem_shared>> -> memref<128x80xf32, #tpu.memory_space<vmem_shared>>
      %dma_wait3A_35 = arith.constant 0 : i32
      %dma_wait3A_36 = arith.constant 0 : i32
      %dma_wait3A_37 = tpu.memref_slice %arg13[%dma_wait3A_35, %dma_wait3A_36] : memref<512x80xf32, #tpu.memory_space<vmem>> -> memref<128x80xf32, #tpu.memory_space<vmem>>
      tpu.wait_dma2 semaphore(%run_scoped3A : memref<!tpu.dma_semaphore, #tpu.memory_space<semaphore_mem>>) src(%dma_wait3A_37 : memref<128x80xf32, #tpu.memory_space<vmem>>) dst(%dma_wait3A_34 : memref<128x80xf32, #tpu.memory_space<vmem_shared>>)
      tpu.yield
    }) : () -> ()
    %barrier3A = arith.constant 0 : index
    tpu.barrier barrier_id(%barrier3A)
    %scan3A_9 = arith.constant 0 : i32
    %scan3A_10 = arith.constant 0 : i32
    %scan3A_11 = arith.constant 40 : i32
    %scan3A_12 = arith.addi %scan3A_10, %scan3A_11 : i32
    %scan3A_13 = arith.constant 1 : i32
    scf.for %scan3A_20 = %scan3A_10 to %scan3A_12 step %scan3A_13  : i32 {
      %mul3A_21 = arith.constant 16 : i32
      %mul3A_22 = arith.muli %mul3A_21, %scan3A_20 : i32
      %add3A_23 = arith.addi %arg1, %mul3A_22 : i32
      %lt3A = arith.constant 625 : i32
      %lt3A_24 = arith.cmpi slt, %add3A_23, %lt3A : i32
      %convert_element_type3A = arith.extui %lt3A_24 : i1 to i32
      %cond3A = arith.constant 0 : i32
      %cond3A_25 = arith.cmpi ne, %convert_element_type3A, %cond3A : i32
      scf.if %cond3A_25 {
        "tpu.region"() ({
          %run_scoped3A = tpu.sem_alloc : memref<!tpu.dma_semaphore, #tpu.memory_space<semaphore_mem>>
          %dma_start3A_227 = arith.constant 0 : i32
          %dma_start3A_228 = arith.constant 0 : i32
          %dma_start3A_229 = tpu.memref_slice %arg3[%add3A_23, %dma_start3A_227, %dma_start3A_228] : memref<625x4x128xi32, #tpu.memory_space<hbm>> -> memref<1x4x128xi32, #tpu.memory_space<hbm>>
          %dma_start3A_230 = tpu.memref_squeeze %dma_start3A_229 : memref<1x4x128xi32, #tpu.memory_space<hbm>> -> memref<4x128xi32, #tpu.memory_space<hbm>>
          %dma_start3A_231 = arith.constant 0 : i32
          %dma_start3A_232 = arith.constant 0 : i32
          %dma_start3A_233 = tpu.memref_slice %arg3[%add3A_23, %dma_start3A_231, %dma_start3A_232] : memref<625x4x128xi32, #tpu.memory_space<hbm>> -> memref<1x4x128xi32, #tpu.memory_space<hbm>>
          %dma_start3A_234 = tpu.memref_squeeze %dma_start3A_233 : memref<1x4x128xi32, #tpu.memory_space<hbm>> -> memref<4x128xi32, #tpu.memory_space<hbm>>
          tpu.enqueue_dma source(%dma_start3A_234 : memref<4x128xi32, #tpu.memory_space<hbm>>) target(%arg9 : memref<4x128xi32, #tpu.memory_space<vmem>>) target_semaphore(%run_scoped3A : memref<!tpu.dma_semaphore, #tpu.memory_space<semaphore_mem>>)
          %dma_wait3A_235 = arith.constant 0 : i32
          %dma_wait3A_236 = arith.constant 0 : i32
          %dma_wait3A_237 = tpu.memref_slice %arg3[%add3A_23, %dma_wait3A_235, %dma_wait3A_236] : memref<625x4x128xi32, #tpu.memory_space<hbm>> -> memref<1x4x128xi32, #tpu.memory_space<hbm>>
          %dma_wait3A_238 = tpu.memref_squeeze %dma_wait3A_237 : memref<1x4x128xi32, #tpu.memory_space<hbm>> -> memref<4x128xi32, #tpu.memory_space<hbm>>
          %dma_wait3A_239 = arith.constant 0 : i32
          %dma_wait3A_240 = arith.constant 0 : i32
          %dma_wait3A_241 = tpu.memref_slice %arg3[%add3A_23, %dma_wait3A_239, %dma_wait3A_240] : memref<625x4x128xi32, #tpu.memory_space<hbm>> -> memref<1x4x128xi32, #tpu.memory_space<hbm>>
          %dma_wait3A_242 = tpu.memref_squeeze %dma_wait3A_241 : memref<1x4x128xi32, #tpu.memory_space<hbm>> -> memref<4x128xi32, #tpu.memory_space<hbm>>
          tpu.wait_dma2 semaphore(%run_scoped3A : memref<!tpu.dma_semaphore, #tpu.memory_space<semaphore_mem>>) src(%dma_wait3A_242 : memref<4x128xi32, #tpu.memory_space<hbm>>) dst(%arg9 : memref<4x128xi32, #tpu.memory_space<vmem>>)
          tpu.yield
        }) : () -> ()
        %mul3A_26 = arith.constant 64 : i32
        %mul3A_27 = arith.muli %add3A_23, %mul3A_26 : i32
        %dma_start3A = arith.constant 0 : i32
        %dma_start3A_28 = arith.constant 0 : i32
        %dma_start3A_29 = arith.constant 0 : i32
        %dma_start3A_30 = tpu.memref_slice %arg10[%dma_start3A_28, %dma_start3A_29] : memref<512x16xf32, #tpu.memory_space<vmem>> -> memref<128x16xf32, #tpu.memory_space<vmem>>
        %dma_start3A_31 = arith.constant 0 : i32
        %dma_start3A_32 = tpu.memref_slice %arg9[%dma_start3A, %dma_start3A_31] : memref<4x128xi32, #tpu.memory_space<vmem>> -> memref<1x128xi32, #tpu.memory_space<vmem>>
        %dma_start3A_33 = tpu.memref_squeeze %dma_start3A_32 : memref<1x128xi32, #tpu.memory_space<vmem>> -> memref<128xi32, #tpu.memory_space<vmem>>
        %dma_start3A_34 = arith.constant 0 : i32
        %dma_start3A_35 = arith.constant 0 : i32
        %dma_start3A_36 = tpu.memref_slice %arg4[%dma_start3A_34, %dma_start3A_35] : memref<10000x16xf32, #tpu.memory_space<hbm>> -> memref<10000x16xf32, #tpu.memory_space<hbm>>
        tpu.enqueue_indirect_dma source(%dma_start3A_36 : memref<10000x16xf32, #tpu.memory_space<hbm>>) target(%dma_start3A_30 : memref<128x16xf32, #tpu.memory_space<vmem>>) offsets(%dma_start3A_33 : memref<128xi32, #tpu.memory_space<vmem>>) semaphore(%arg15 : memref<!tpu.dma_semaphore, #tpu.memory_space<semaphore_mem>>)
        %dma_start3A_37 = arith.constant 1 : i32
        %dma_start3A_38 = arith.constant 128 : i32
        %dma_start3A_39 = arith.constant 0 : i32
        %dma_start3A_40 = tpu.memref_slice %arg10[%dma_start3A_38, %dma_start3A_39] : memref<512x16xf32, #tpu.memory_space<vmem>> -> memref<128x16xf32, #tpu.memory_space<vmem>>
        %dma_start3A_41 = arith.constant 0 : i32
        %dma_start3A_42 = tpu.memref_slice %arg9[%dma_start3A_37, %dma_start3A_41] : memref<4x128xi32, #tpu.memory_space<vmem>> -> memref<1x128xi32, #tpu.memory_space<vmem>>
        %dma_start3A_43 = tpu.memref_squeeze %dma_start3A_42 : memref<1x128xi32, #tpu.memory_space<vmem>> -> memref<128xi32, #tpu.memory_space<vmem>>
        %dma_start3A_44 = arith.constant 0 : i32
        %dma_start3A_45 = arith.constant 0 : i32
        %dma_start3A_46 = tpu.memref_slice %arg4[%dma_start3A_44, %dma_start3A_45] : memref<10000x16xf32, #tpu.memory_space<hbm>> -> memref<10000x16xf32, #tpu.memory_space<hbm>>
        tpu.enqueue_indirect_dma source(%dma_start3A_46 : memref<10000x16xf32, #tpu.memory_space<hbm>>) target(%dma_start3A_40 : memref<128x16xf32, #tpu.memory_space<vmem>>) offsets(%dma_start3A_43 : memref<128xi32, #tpu.memory_space<vmem>>) semaphore(%arg15 : memref<!tpu.dma_semaphore, #tpu.memory_space<semaphore_mem>>)
        %dma_start3A_47 = arith.constant 2 : i32
        %dma_start3A_48 = arith.constant 256 : i32
        %dma_start3A_49 = arith.constant 0 : i32
        %dma_start3A_50 = tpu.memref_slice %arg10[%dma_start3A_48, %dma_start3A_49] : memref<512x16xf32, #tpu.memory_space<vmem>> -> memref<128x16xf32, #tpu.memory_space<vmem>>
        %dma_start3A_51 = arith.constant 0 : i32
        %dma_start3A_52 = tpu.memref_slice %arg9[%dma_start3A_47, %dma_start3A_51] : memref<4x128xi32, #tpu.memory_space<vmem>> -> memref<1x128xi32, #tpu.memory_space<vmem>>
        %dma_start3A_53 = tpu.memref_squeeze %dma_start3A_52 : memref<1x128xi32, #tpu.memory_space<vmem>> -> memref<128xi32, #tpu.memory_space<vmem>>
        %dma_start3A_54 = arith.constant 0 : i32
        %dma_start3A_55 = arith.constant 0 : i32
        %dma_start3A_56 = tpu.memref_slice %arg4[%dma_start3A_54, %dma_start3A_55] : memref<10000x16xf32, #tpu.memory_space<hbm>> -> memref<10000x16xf32, #tpu.memory_space<hbm>>
        tpu.enqueue_indirect_dma source(%dma_start3A_56 : memref<10000x16xf32, #tpu.memory_space<hbm>>) target(%dma_start3A_50 : memref<128x16xf32, #tpu.memory_space<vmem>>) offsets(%dma_start3A_53 : memref<128xi32, #tpu.memory_space<vmem>>) semaphore(%arg15 : memref<!tpu.dma_semaphore, #tpu.memory_space<semaphore_mem>>)
        %dma_start3A_57 = arith.constant 3 : i32
        %dma_start3A_58 = arith.constant 384 : i32
        %dma_start3A_59 = arith.constant 0 : i32
        %dma_start3A_60 = tpu.memref_slice %arg10[%dma_start3A_58, %dma_start3A_59] : memref<512x16xf32, #tpu.memory_space<vmem>> -> memref<128x16xf32, #tpu.memory_space<vmem>>
        %dma_start3A_61 = arith.constant 0 : i32
        %dma_start3A_62 = tpu.memref_slice %arg9[%dma_start3A_57, %dma_start3A_61] : memref<4x128xi32, #tpu.memory_space<vmem>> -> memref<1x128xi32, #tpu.memory_space<vmem>>
        %dma_start3A_63 = tpu.memref_squeeze %dma_start3A_62 : memref<1x128xi32, #tpu.memory_space<vmem>> -> memref<128xi32, #tpu.memory_space<vmem>>
        %dma_start3A_64 = arith.constant 0 : i32
        %dma_start3A_65 = arith.constant 0 : i32
        %dma_start3A_66 = tpu.memref_slice %arg4[%dma_start3A_64, %dma_start3A_65] : memref<10000x16xf32, #tpu.memory_space<hbm>> -> memref<10000x16xf32, #tpu.memory_space<hbm>>
        tpu.enqueue_indirect_dma source(%dma_start3A_66 : memref<10000x16xf32, #tpu.memory_space<hbm>>) target(%dma_start3A_60 : memref<128x16xf32, #tpu.memory_space<vmem>>) offsets(%dma_start3A_63 : memref<128xi32, #tpu.memory_space<vmem>>) semaphore(%arg15 : memref<!tpu.dma_semaphore, #tpu.memory_space<semaphore_mem>>)
        %dma_start3A_67 = arith.constant 0 : i32
        %dma_start3A_68 = arith.constant 0 : i32
        %dma_start3A_69 = tpu.memref_slice %arg2[%add3A_23, %dma_start3A_67, %dma_start3A_68] : memref<625x4x128xi32, #tpu.memory_space<hbm>> -> memref<1x4x128xi32, #tpu.memory_space<hbm>>
        %dma_start3A_70 = tpu.memref_squeeze %dma_start3A_69 : memref<1x4x128xi32, #tpu.memory_space<hbm>> -> memref<4x128xi32, #tpu.memory_space<hbm>>
        %dma_start3A_71 = arith.constant 0 : i32
        %dma_start3A_72 = arith.constant 0 : i32
        %dma_start3A_73 = tpu.memref_slice %arg2[%add3A_23, %dma_start3A_71, %dma_start3A_72] : memref<625x4x128xi32, #tpu.memory_space<hbm>> -> memref<1x4x128xi32, #tpu.memory_space<hbm>>
        %dma_start3A_74 = tpu.memref_squeeze %dma_start3A_73 : memref<1x4x128xi32, #tpu.memory_space<hbm>> -> memref<4x128xi32, #tpu.memory_space<hbm>>
        tpu.enqueue_dma source(%dma_start3A_74 : memref<4x128xi32, #tpu.memory_space<hbm>>) target(%arg8 : memref<4x128xi32, #tpu.memory_space<vmem>>) target_semaphore(%arg16 : memref<!tpu.dma_semaphore, #tpu.memory_space<semaphore_mem>>)
        %dma_start3A_75 = arith.constant 0 : i32
        %dma_start3A_76 = tpu.memref_slice %arg5[%mul3A_27, %dma_start3A_75] : memref<40000x128xf32, #tpu.memory_space<hbm>> -> memref<64x128xf32, #tpu.memory_space<hbm>>
        %dma_start3A_77 = arith.constant 0 : i32
        %dma_start3A_78 = tpu.memref_slice %arg5[%mul3A_27, %dma_start3A_77] : memref<40000x128xf32, #tpu.memory_space<hbm>> -> memref<64x128xf32, #tpu.memory_space<hbm>>
        tpu.enqueue_dma source(%dma_start3A_78 : memref<64x128xf32, #tpu.memory_space<hbm>>) target(%arg11 : memref<64x128xf32, #tpu.memory_space<vmem>>) target_semaphore(%arg16 : memref<!tpu.dma_semaphore, #tpu.memory_space<semaphore_mem>>)
        %dma_start3A_79 = arith.constant 0 : i32
        %dma_start3A_80 = tpu.memref_slice %arg6[%mul3A_27, %dma_start3A_79] : memref<40000x128xf32, #tpu.memory_space<hbm>> -> memref<64x128xf32, #tpu.memory_space<hbm>>
        %dma_start3A_81 = arith.constant 0 : i32
        %dma_start3A_82 = tpu.memref_slice %arg6[%mul3A_27, %dma_start3A_81] : memref<40000x128xf32, #tpu.memory_space<hbm>> -> memref<64x128xf32, #tpu.memory_space<hbm>>
        tpu.enqueue_dma source(%dma_start3A_82 : memref<64x128xf32, #tpu.memory_space<hbm>>) target(%arg12 : memref<64x128xf32, #tpu.memory_space<vmem>>) target_semaphore(%arg16 : memref<!tpu.dma_semaphore, #tpu.memory_space<semaphore_mem>>)
        %dma_wait3A = arith.constant 0 : i32
        %dma_wait3A_83 = arith.constant 0 : i32
        %dma_wait3A_84 = arith.constant 0 : i32
        %dma_wait3A_85 = tpu.memref_slice %arg10[%dma_wait3A_83, %dma_wait3A_84] : memref<512x16xf32, #tpu.memory_space<vmem>> -> memref<128x16xf32, #tpu.memory_space<vmem>>
        %dma_wait3A_86 = arith.constant 0 : i32
        %dma_wait3A_87 = tpu.memref_slice %arg9[%dma_wait3A, %dma_wait3A_86] : memref<4x128xi32, #tpu.memory_space<vmem>> -> memref<1x128xi32, #tpu.memory_space<vmem>>
        %dma_wait3A_88 = tpu.memref_squeeze %dma_wait3A_87 : memref<1x128xi32, #tpu.memory_space<vmem>> -> memref<128xi32, #tpu.memory_space<vmem>>
        %dma_wait3A_89 = arith.constant 0 : i32
        %dma_wait3A_90 = arith.constant 0 : i32
        %dma_wait3A_91 = tpu.memref_slice %arg4[%dma_wait3A_89, %dma_wait3A_90] : memref<10000x16xf32, #tpu.memory_space<hbm>> -> memref<10000x16xf32, #tpu.memory_space<hbm>>
        tpu.wait_indirect_dma semaphore(%arg15 : memref<!tpu.dma_semaphore, #tpu.memory_space<semaphore_mem>>) src(%dma_wait3A_91 : memref<10000x16xf32, #tpu.memory_space<hbm>>) dst(%dma_wait3A_85 : memref<128x16xf32, #tpu.memory_space<vmem>>)
        %dma_wait3A_92 = arith.constant 1 : i32
        %dma_wait3A_93 = arith.constant 128 : i32
        %dma_wait3A_94 = arith.constant 0 : i32
        %dma_wait3A_95 = tpu.memref_slice %arg10[%dma_wait3A_93, %dma_wait3A_94] : memref<512x16xf32, #tpu.memory_space<vmem>> -> memref<128x16xf32, #tpu.memory_space<vmem>>
        %dma_wait3A_96 = arith.constant 0 : i32
        %dma_wait3A_97 = tpu.memref_slice %arg9[%dma_wait3A_92, %dma_wait3A_96] : memref<4x128xi32, #tpu.memory_space<vmem>> -> memref<1x128xi32, #tpu.memory_space<vmem>>
        %dma_wait3A_98 = tpu.memref_squeeze %dma_wait3A_97 : memref<1x128xi32, #tpu.memory_space<vmem>> -> memref<128xi32, #tpu.memory_space<vmem>>
        %dma_wait3A_99 = arith.constant 0 : i32
        %dma_wait3A_100 = arith.constant 0 : i32
        %dma_wait3A_101 = tpu.memref_slice %arg4[%dma_wait3A_99, %dma_wait3A_100] : memref<10000x16xf32, #tpu.memory_space<hbm>> -> memref<10000x16xf32, #tpu.memory_space<hbm>>
        tpu.wait_indirect_dma semaphore(%arg15 : memref<!tpu.dma_semaphore, #tpu.memory_space<semaphore_mem>>) src(%dma_wait3A_101 : memref<10000x16xf32, #tpu.memory_space<hbm>>) dst(%dma_wait3A_95 : memref<128x16xf32, #tpu.memory_space<vmem>>)
        %dma_wait3A_102 = arith.constant 2 : i32
        %dma_wait3A_103 = arith.constant 256 : i32
        %dma_wait3A_104 = arith.constant 0 : i32
        %dma_wait3A_105 = tpu.memref_slice %arg10[%dma_wait3A_103, %dma_wait3A_104] : memref<512x16xf32, #tpu.memory_space<vmem>> -> memref<128x16xf32, #tpu.memory_space<vmem>>
        %dma_wait3A_106 = arith.constant 0 : i32
        %dma_wait3A_107 = tpu.memref_slice %arg9[%dma_wait3A_102, %dma_wait3A_106] : memref<4x128xi32, #tpu.memory_space<vmem>> -> memref<1x128xi32, #tpu.memory_space<vmem>>
        %dma_wait3A_108 = tpu.memref_squeeze %dma_wait3A_107 : memref<1x128xi32, #tpu.memory_space<vmem>> -> memref<128xi32, #tpu.memory_space<vmem>>
        %dma_wait3A_109 = arith.constant 0 : i32
        %dma_wait3A_110 = arith.constant 0 : i32
        %dma_wait3A_111 = tpu.memref_slice %arg4[%dma_wait3A_109, %dma_wait3A_110] : memref<10000x16xf32, #tpu.memory_space<hbm>> -> memref<10000x16xf32, #tpu.memory_space<hbm>>
        tpu.wait_indirect_dma semaphore(%arg15 : memref<!tpu.dma_semaphore, #tpu.memory_space<semaphore_mem>>) src(%dma_wait3A_111 : memref<10000x16xf32, #tpu.memory_space<hbm>>) dst(%dma_wait3A_105 : memref<128x16xf32, #tpu.memory_space<vmem>>)
        %dma_wait3A_112 = arith.constant 3 : i32
        %dma_wait3A_113 = arith.constant 384 : i32
        %dma_wait3A_114 = arith.constant 0 : i32
        %dma_wait3A_115 = tpu.memref_slice %arg10[%dma_wait3A_113, %dma_wait3A_114] : memref<512x16xf32, #tpu.memory_space<vmem>> -> memref<128x16xf32, #tpu.memory_space<vmem>>
        %dma_wait3A_116 = arith.constant 0 : i32
        %dma_wait3A_117 = tpu.memref_slice %arg9[%dma_wait3A_112, %dma_wait3A_116] : memref<4x128xi32, #tpu.memory_space<vmem>> -> memref<1x128xi32, #tpu.memory_space<vmem>>
        %dma_wait3A_118 = tpu.memref_squeeze %dma_wait3A_117 : memref<1x128xi32, #tpu.memory_space<vmem>> -> memref<128xi32, #tpu.memory_space<vmem>>
        %dma_wait3A_119 = arith.constant 0 : i32
        %dma_wait3A_120 = arith.constant 0 : i32
        %dma_wait3A_121 = tpu.memref_slice %arg4[%dma_wait3A_119, %dma_wait3A_120] : memref<10000x16xf32, #tpu.memory_space<hbm>> -> memref<10000x16xf32, #tpu.memory_space<hbm>>
        tpu.wait_indirect_dma semaphore(%arg15 : memref<!tpu.dma_semaphore, #tpu.memory_space<semaphore_mem>>) src(%dma_wait3A_121 : memref<10000x16xf32, #tpu.memory_space<hbm>>) dst(%dma_wait3A_115 : memref<128x16xf32, #tpu.memory_space<vmem>>)
        %dma_wait3A_122 = arith.constant 0 : i32
        %dma_wait3A_123 = arith.constant 0 : i32
        %dma_wait3A_124 = tpu.memref_slice %arg2[%add3A_23, %dma_wait3A_122, %dma_wait3A_123] : memref<625x4x128xi32, #tpu.memory_space<hbm>> -> memref<1x4x128xi32, #tpu.memory_space<hbm>>
        %dma_wait3A_125 = tpu.memref_squeeze %dma_wait3A_124 : memref<1x4x128xi32, #tpu.memory_space<hbm>> -> memref<4x128xi32, #tpu.memory_space<hbm>>
        %dma_wait3A_126 = arith.constant 0 : i32
        %dma_wait3A_127 = arith.constant 0 : i32
        %dma_wait3A_128 = tpu.memref_slice %arg2[%add3A_23, %dma_wait3A_126, %dma_wait3A_127] : memref<625x4x128xi32, #tpu.memory_space<hbm>> -> memref<1x4x128xi32, #tpu.memory_space<hbm>>
        %dma_wait3A_129 = tpu.memref_squeeze %dma_wait3A_128 : memref<1x4x128xi32, #tpu.memory_space<hbm>> -> memref<4x128xi32, #tpu.memory_space<hbm>>
        tpu.wait_dma2 semaphore(%arg16 : memref<!tpu.dma_semaphore, #tpu.memory_space<semaphore_mem>>) src(%dma_wait3A_129 : memref<4x128xi32, #tpu.memory_space<hbm>>) dst(%arg8 : memref<4x128xi32, #tpu.memory_space<vmem>>)
        %dma_wait3A_130 = arith.constant 0 : i32
        %dma_wait3A_131 = tpu.memref_slice %arg5[%mul3A_27, %dma_wait3A_130] : memref<40000x128xf32, #tpu.memory_space<hbm>> -> memref<64x128xf32, #tpu.memory_space<hbm>>
        %dma_wait3A_132 = arith.constant 0 : i32
        %dma_wait3A_133 = tpu.memref_slice %arg5[%mul3A_27, %dma_wait3A_132] : memref<40000x128xf32, #tpu.memory_space<hbm>> -> memref<64x128xf32, #tpu.memory_space<hbm>>
        tpu.wait_dma2 semaphore(%arg16 : memref<!tpu.dma_semaphore, #tpu.memory_space<semaphore_mem>>) src(%dma_wait3A_133 : memref<64x128xf32, #tpu.memory_space<hbm>>) dst(%arg11 : memref<64x128xf32, #tpu.memory_space<vmem>>)
        %dma_wait3A_134 = arith.constant 0 : i32
        %dma_wait3A_135 = tpu.memref_slice %arg6[%mul3A_27, %dma_wait3A_134] : memref<40000x128xf32, #tpu.memory_space<hbm>> -> memref<64x128xf32, #tpu.memory_space<hbm>>
        %dma_wait3A_136 = arith.constant 0 : i32
        %dma_wait3A_137 = tpu.memref_slice %arg6[%mul3A_27, %dma_wait3A_136] : memref<40000x128xf32, #tpu.memory_space<hbm>> -> memref<64x128xf32, #tpu.memory_space<hbm>>
        tpu.wait_dma2 semaphore(%arg16 : memref<!tpu.dma_semaphore, #tpu.memory_space<semaphore_mem>>) src(%dma_wait3A_137 : memref<64x128xf32, #tpu.memory_space<hbm>>) dst(%arg12 : memref<64x128xf32, #tpu.memory_space<vmem>>)
        %eq3A = arith.constant 0 : i32
        %eq3A_138 = arith.cmpi eq, %arg0, %eq3A : i32
        %convert_element_type3A_139 = arith.extui %eq3A_138 : i1 to i32
        %cond3A_140 = arith.constant 0 : i32
        %cond3A_141 = arith.cmpi ne, %convert_element_type3A_139, %cond3A_140 : i32
        scf.if %cond3A_141 {
          %scan3A_227 = arith.constant 0 : i32
          %scan3A_228 = arith.constant 0 : i32
          %scan3A_229 = arith.constant 512 : i32
          %scan3A_230 = arith.addi %scan3A_228, %scan3A_229 : i32
          %scan3A_231 = arith.constant 1 : i32
          scf.for %scan3A_233 = %scan3A_228 to %scan3A_230 step %scan3A_231  : i32 {
            %jit3A = arith.constant 8 : i32
            %div3A = arith.divsi %scan3A_233, %jit3A : i32
            %sign3A = arith.constant 0 : i32
            %sign3A_234 = arith.cmpi sgt, %scan3A_233, %sign3A : i32
            %sign3A_235 = arith.extui %sign3A_234 : i1 to i32
            %sign3A_236 = arith.constant 0 : i32
            %sign3A_237 = arith.cmpi slt, %scan3A_233, %sign3A_236 : i32
            %sign3A_238 = arith.extui %sign3A_237 : i1 to i32
            %sign3A_239 = arith.subi %sign3A_235, %sign3A_238 : i32
            %sign3A_240 = arith.constant 0 : i32
            %sign3A_241 = arith.cmpi sgt, %jit3A, %sign3A_240 : i32
            %sign3A_242 = arith.extui %sign3A_241 : i1 to i32
            %sign3A_243 = arith.constant 0 : i32
            %sign3A_244 = arith.cmpi slt, %jit3A, %sign3A_243 : i32
            %sign3A_245 = arith.extui %sign3A_244 : i1 to i32
            %sign3A_246 = arith.subi %sign3A_242, %sign3A_245 : i32
            %ne3A = arith.cmpi ne, %sign3A_239, %sign3A_246 : i32
            %rem3A = arith.remsi %scan3A_233, %jit3A : i32
            %ne3A_247 = arith.constant 0 : i32
            %ne3A_248 = arith.cmpi ne, %rem3A, %ne3A_247 : i32
            %and3A = arith.andi %ne3A, %ne3A_248 : i1
            %sub3A = arith.constant 1 : i32
            %sub3A_249 = arith.subi %div3A, %sub3A : i32
            %select_n3A = arith.select %and3A, %sub3A_249, %div3A : i32
            %jit3A_250 = arith.constant 8 : i32
            %eq3A_251 = arith.constant 0 : i32
            %eq3A_252 = arith.cmpi eq, %jit3A_250, %eq3A_251 : i32
            %jit3A_253 = arith.constant 1 : i32
            %select_n3A_254 = arith.select %eq3A_252, %jit3A_253, %jit3A_250 : i32
            %rem3A_255 = arith.remsi %scan3A_233, %select_n3A_254 : i32
            %ne3A_256 = arith.constant 0 : i32
            %ne3A_257 = arith.cmpi ne, %rem3A_255, %ne3A_256 : i32
            %lt3A_258 = arith.constant 0 : i32
            %lt3A_259 = arith.cmpi slt, %rem3A_255, %lt3A_258 : i32
            %lt3A_260 = arith.constant 0 : i32
            %lt3A_261 = arith.cmpi slt, %select_n3A_254, %lt3A_260 : i32
            %ne3A_262 = arith.xori %lt3A_259, %lt3A_261 : i1
            %and3A_263 = arith.andi %ne3A_262, %ne3A_257 : i1
            %add3A_264 = arith.addi %rem3A_255, %select_n3A_254 : i32
            %select_n3A_265 = arith.select %and3A_263, %add3A_264, %rem3A_255 : i32
            %mul3A_266 = arith.constant 16 : i32
            %mul3A_267 = arith.muli %select_n3A_265, %mul3A_266 : i32
            %get3A = arith.index_cast %scan3A_233 : i32 to index
            %get3A_268 = arith.constant 0 : index
            %get3A_269 = tpu.vector_load %arg10[%get3A, %get3A_268] {strides = array<i32>} : memref<512x16xf32, #tpu.memory_space<vmem>>, vector<1x16xf32>,
            %get3A_270 = vector.shape_cast %get3A_269 : vector<1x16xf32> to vector<16xf32>
            %get3A_271 = arith.index_cast %select_n3A : i32 to index
            %get3A_272 = arith.index_cast %mul3A_267 : i32 to index
            %get3A_273 = tpu.vector_load %arg11[%get3A_271, %get3A_272] {strides = array<i32>} : memref<64x128xf32, #tpu.memory_space<vmem>>, vector<1x16xf32>,
            %get3A_274 = vector.shape_cast %get3A_273 : vector<1x16xf32> to vector<16xf32>
            %mul3A_275 = arith.mulf %get3A_270, %get3A_274 : vector<16xf32>
            %get3A_276 = arith.index_cast %select_n3A : i32 to index
            %get3A_277 = arith.index_cast %mul3A_267 : i32 to index
            %get3A_278 = tpu.vector_load %arg12[%get3A_276, %get3A_277] {strides = array<i32>} : memref<64x128xf32, #tpu.memory_space<vmem>>, vector<1x16xf32>,
            %get3A_279 = vector.shape_cast %get3A_278 : vector<1x16xf32> to vector<16xf32>
            %slice3A = vector.extract_strided_slice %get3A_279 {offsets = [0], sizes = [1], strides = [1]} : vector<16xf32> to vector<1xf32>
            %squeeze3A = vector.extract %slice3A[0] : f32 from vector<1xf32>
            %mul3A_280 = vector.broadcast %squeeze3A : f32 to vector<16xf32>
            %mul3A_281 = arith.mulf %mul3A_275, %mul3A_280 : vector<16xf32>
            %swap3A = arith.index_cast %scan3A_233 : i32 to index
            %swap3A_282 = arith.constant 0 : index
            %swap3A_283 = tpu.vector_load %arg13[%swap3A, %swap3A_282] {strides = array<i32>} : memref<512x80xf32, #tpu.memory_space<vmem>>, vector<1x16xf32>,
            %swap3A_284 = vector.shape_cast %swap3A_283 : vector<1x16xf32> to vector<16xf32>
            %swap3A_285 = vector.shape_cast %mul3A_281 : vector<16xf32> to vector<1x16xf32>
            tpu.vector_store %arg13[%swap3A, %swap3A_282], %swap3A_285 {strides = array<i32>} : memref<512x80xf32, #tpu.memory_space<vmem>>, vector<1x16xf32>,
            %slice3A_286 = vector.extract_strided_slice %get3A_279 {offsets = [1], sizes = [1], strides = [1]} : vector<16xf32> to vector<1xf32>
            %squeeze3A_287 = vector.extract %slice3A_286[0] : f32 from vector<1xf32>
            %mul3A_288 = vector.broadcast %squeeze3A_287 : f32 to vector<16xf32>
            %mul3A_289 = arith.mulf %mul3A_275, %mul3A_288 : vector<16xf32>
            %swap3A_290 = arith.index_cast %scan3A_233 : i32 to index
            %swap3A_291 = arith.constant 16 : index
            %swap3A_292 = tpu.vector_load %arg13[%swap3A_290, %swap3A_291] {strides = array<i32>} : memref<512x80xf32, #tpu.memory_space<vmem>>, vector<1x16xf32>,
            %swap3A_293 = vector.shape_cast %swap3A_292 : vector<1x16xf32> to vector<16xf32>
            %swap3A_294 = vector.shape_cast %mul3A_289 : vector<16xf32> to vector<1x16xf32>
            tpu.vector_store %arg13[%swap3A_290, %swap3A_291], %swap3A_294 {strides = array<i32>} : memref<512x80xf32, #tpu.memory_space<vmem>>, vector<1x16xf32>,
            %slice3A_295 = vector.extract_strided_slice %get3A_279 {offsets = [2], sizes = [1], strides = [1]} : vector<16xf32> to vector<1xf32>
            %squeeze3A_296 = vector.extract %slice3A_295[0] : f32 from vector<1xf32>
            %mul3A_297 = vector.broadcast %squeeze3A_296 : f32 to vector<16xf32>
            %mul3A_298 = arith.mulf %mul3A_275, %mul3A_297 : vector<16xf32>
            %swap3A_299 = arith.index_cast %scan3A_233 : i32 to index
            %swap3A_300 = arith.constant 32 : index
            %swap3A_301 = tpu.vector_load %arg13[%swap3A_299, %swap3A_300] {strides = array<i32>} : memref<512x80xf32, #tpu.memory_space<vmem>>, vector<1x16xf32>,
            %swap3A_302 = vector.shape_cast %swap3A_301 : vector<1x16xf32> to vector<16xf32>
            %swap3A_303 = vector.shape_cast %mul3A_298 : vector<16xf32> to vector<1x16xf32>
            tpu.vector_store %arg13[%swap3A_299, %swap3A_300], %swap3A_303 {strides = array<i32>} : memref<512x80xf32, #tpu.memory_space<vmem>>, vector<1x16xf32>,
            %slice3A_304 = vector.extract_strided_slice %get3A_279 {offsets = [3], sizes = [1], strides = [1]} : vector<16xf32> to vector<1xf32>
            %squeeze3A_305 = vector.extract %slice3A_304[0] : f32 from vector<1xf32>
            %mul3A_306 = vector.broadcast %squeeze3A_305 : f32 to vector<16xf32>
            %mul3A_307 = arith.mulf %mul3A_275, %mul3A_306 : vector<16xf32>
            %swap3A_308 = arith.index_cast %scan3A_233 : i32 to index
            %swap3A_309 = arith.constant 48 : index
            %swap3A_310 = tpu.vector_load %arg13[%swap3A_308, %swap3A_309] {strides = array<i32>} : memref<512x80xf32, #tpu.memory_space<vmem>>, vector<1x16xf32>,
            %swap3A_311 = vector.shape_cast %swap3A_310 : vector<1x16xf32> to vector<16xf32>
            %swap3A_312 = vector.shape_cast %mul3A_307 : vector<16xf32> to vector<1x16xf32>
            tpu.vector_store %arg13[%swap3A_308, %swap3A_309], %swap3A_312 {strides = array<i32>} : memref<512x80xf32, #tpu.memory_space<vmem>>, vector<1x16xf32>,
          }
          %scan3A_232 = arith.constant 512 : i32
        } else {
        }
        %eq3A_142 = arith.constant 1 : i32
        %eq3A_143 = arith.cmpi eq, %arg0, %eq3A_142 : i32
        %convert_element_type3A_144 = arith.extui %eq3A_143 : i1 to i32
        %cond3A_145 = arith.constant 0 : i32
        %cond3A_146 = arith.cmpi ne, %convert_element_type3A_144, %cond3A_145 : i32
        scf.if %cond3A_146 {
          %scan3A_227 = arith.constant 0 : i32
          %scan3A_228 = arith.constant 0 : i32
          %scan3A_229 = arith.constant 512 : i32
          %scan3A_230 = arith.addi %scan3A_228, %scan3A_229 : i32
          %scan3A_231 = arith.constant 1 : i32
          scf.for %scan3A_233 = %scan3A_228 to %scan3A_230 step %scan3A_231  : i32 {
            %jit3A = arith.constant 8 : i32
            %div3A = arith.divsi %scan3A_233, %jit3A : i32
            %sign3A = arith.constant 0 : i32
            %sign3A_234 = arith.cmpi sgt, %scan3A_233, %sign3A : i32
            %sign3A_235 = arith.extui %sign3A_234 : i1 to i32
            %sign3A_236 = arith.constant 0 : i32
            %sign3A_237 = arith.cmpi slt, %scan3A_233, %sign3A_236 : i32
            %sign3A_238 = arith.extui %sign3A_237 : i1 to i32
            %sign3A_239 = arith.subi %sign3A_235, %sign3A_238 : i32
            %sign3A_240 = arith.constant 0 : i32
            %sign3A_241 = arith.cmpi sgt, %jit3A, %sign3A_240 : i32
            %sign3A_242 = arith.extui %sign3A_241 : i1 to i32
            %sign3A_243 = arith.constant 0 : i32
            %sign3A_244 = arith.cmpi slt, %jit3A, %sign3A_243 : i32
            %sign3A_245 = arith.extui %sign3A_244 : i1 to i32
            %sign3A_246 = arith.subi %sign3A_242, %sign3A_245 : i32
            %ne3A = arith.cmpi ne, %sign3A_239, %sign3A_246 : i32
            %rem3A = arith.remsi %scan3A_233, %jit3A : i32
            %ne3A_247 = arith.constant 0 : i32
            %ne3A_248 = arith.cmpi ne, %rem3A, %ne3A_247 : i32
            %and3A = arith.andi %ne3A, %ne3A_248 : i1
            %sub3A = arith.constant 1 : i32
            %sub3A_249 = arith.subi %div3A, %sub3A : i32
            %select_n3A = arith.select %and3A, %sub3A_249, %div3A : i32
            %jit3A_250 = arith.constant 8 : i32
            %eq3A_251 = arith.constant 0 : i32
            %eq3A_252 = arith.cmpi eq, %jit3A_250, %eq3A_251 : i32
            %jit3A_253 = arith.constant 1 : i32
            %select_n3A_254 = arith.select %eq3A_252, %jit3A_253, %jit3A_250 : i32
            %rem3A_255 = arith.remsi %scan3A_233, %select_n3A_254 : i32
            %ne3A_256 = arith.constant 0 : i32
            %ne3A_257 = arith.cmpi ne, %rem3A_255, %ne3A_256 : i32
            %lt3A_258 = arith.constant 0 : i32
            %lt3A_259 = arith.cmpi slt, %rem3A_255, %lt3A_258 : i32
            %lt3A_260 = arith.constant 0 : i32
            %lt3A_261 = arith.cmpi slt, %select_n3A_254, %lt3A_260 : i32
            %ne3A_262 = arith.xori %lt3A_259, %lt3A_261 : i1
            %and3A_263 = arith.andi %ne3A_262, %ne3A_257 : i1
            %add3A_264 = arith.addi %rem3A_255, %select_n3A_254 : i32
            %select_n3A_265 = arith.select %and3A_263, %add3A_264, %rem3A_255 : i32
            %mul3A_266 = arith.constant 16 : i32
            %mul3A_267 = arith.muli %select_n3A_265, %mul3A_266 : i32
            %get3A = arith.index_cast %scan3A_233 : i32 to index
            %get3A_268 = arith.constant 0 : index
            %get3A_269 = tpu.vector_load %arg10[%get3A, %get3A_268] {strides = array<i32>} : memref<512x16xf32, #tpu.memory_space<vmem>>, vector<1x16xf32>,
            %get3A_270 = vector.shape_cast %get3A_269 : vector<1x16xf32> to vector<16xf32>
            %get3A_271 = arith.index_cast %select_n3A : i32 to index
            %get3A_272 = arith.index_cast %mul3A_267 : i32 to index
            %get3A_273 = tpu.vector_load %arg11[%get3A_271, %get3A_272] {strides = array<i32>} : memref<64x128xf32, #tpu.memory_space<vmem>>, vector<1x16xf32>,
            %get3A_274 = vector.shape_cast %get3A_273 : vector<1x16xf32> to vector<16xf32>
            %mul3A_275 = arith.mulf %get3A_270, %get3A_274 : vector<16xf32>
            %get3A_276 = arith.index_cast %select_n3A : i32 to index
            %get3A_277 = arith.index_cast %mul3A_267 : i32 to index
            %get3A_278 = tpu.vector_load %arg12[%get3A_276, %get3A_277] {strides = array<i32>} : memref<64x128xf32, #tpu.memory_space<vmem>>, vector<1x16xf32>,
            %get3A_279 = vector.shape_cast %get3A_278 : vector<1x16xf32> to vector<16xf32>
            %slice3A = vector.extract_strided_slice %get3A_279 {offsets = [4], sizes = [1], strides = [1]} : vector<16xf32> to vector<1xf32>
            %squeeze3A = vector.extract %slice3A[0] : f32 from vector<1xf32>
            %mul3A_280 = vector.broadcast %squeeze3A : f32 to vector<16xf32>
            %mul3A_281 = arith.mulf %mul3A_275, %mul3A_280 : vector<16xf32>
            %swap3A = arith.index_cast %scan3A_233 : i32 to index
            %swap3A_282 = arith.constant 0 : index
            %swap3A_283 = tpu.vector_load %arg13[%swap3A, %swap3A_282] {strides = array<i32>} : memref<512x80xf32, #tpu.memory_space<vmem>>, vector<1x16xf32>,
            %swap3A_284 = vector.shape_cast %swap3A_283 : vector<1x16xf32> to vector<16xf32>
            %swap3A_285 = vector.shape_cast %mul3A_281 : vector<16xf32> to vector<1x16xf32>
            tpu.vector_store %arg13[%swap3A, %swap3A_282], %swap3A_285 {strides = array<i32>} : memref<512x80xf32, #tpu.memory_space<vmem>>, vector<1x16xf32>,
            %slice3A_286 = vector.extract_strided_slice %get3A_279 {offsets = [5], sizes = [1], strides = [1]} : vector<16xf32> to vector<1xf32>
            %squeeze3A_287 = vector.extract %slice3A_286[0] : f32 from vector<1xf32>
            %mul3A_288 = vector.broadcast %squeeze3A_287 : f32 to vector<16xf32>
            %mul3A_289 = arith.mulf %mul3A_275, %mul3A_288 : vector<16xf32>
            %swap3A_290 = arith.index_cast %scan3A_233 : i32 to index
            %swap3A_291 = arith.constant 16 : index
            %swap3A_292 = tpu.vector_load %arg13[%swap3A_290, %swap3A_291] {strides = array<i32>} : memref<512x80xf32, #tpu.memory_space<vmem>>, vector<1x16xf32>,
            %swap3A_293 = vector.shape_cast %swap3A_292 : vector<1x16xf32> to vector<16xf32>
            %swap3A_294 = vector.shape_cast %mul3A_289 : vector<16xf32> to vector<1x16xf32>
            tpu.vector_store %arg13[%swap3A_290, %swap3A_291], %swap3A_294 {strides = array<i32>} : memref<512x80xf32, #tpu.memory_space<vmem>>, vector<1x16xf32>,
            %slice3A_295 = vector.extract_strided_slice %get3A_279 {offsets = [6], sizes = [1], strides = [1]} : vector<16xf32> to vector<1xf32>
            %squeeze3A_296 = vector.extract %slice3A_295[0] : f32 from vector<1xf32>
            %mul3A_297 = vector.broadcast %squeeze3A_296 : f32 to vector<16xf32>
            %mul3A_298 = arith.mulf %mul3A_275, %mul3A_297 : vector<16xf32>
            %swap3A_299 = arith.index_cast %scan3A_233 : i32 to index
            %swap3A_300 = arith.constant 32 : index
            %swap3A_301 = tpu.vector_load %arg13[%swap3A_299, %swap3A_300] {strides = array<i32>} : memref<512x80xf32, #tpu.memory_space<vmem>>, vector<1x16xf32>,
            %swap3A_302 = vector.shape_cast %swap3A_301 : vector<1x16xf32> to vector<16xf32>
            %swap3A_303 = vector.shape_cast %mul3A_298 : vector<16xf32> to vector<1x16xf32>
            tpu.vector_store %arg13[%swap3A_299, %swap3A_300], %swap3A_303 {strides = array<i32>} : memref<512x80xf32, #tpu.memory_space<vmem>>, vector<1x16xf32>,
            %slice3A_304 = vector.extract_strided_slice %get3A_279 {offsets = [7], sizes = [1], strides = [1]} : vector<16xf32> to vector<1xf32>
            %squeeze3A_305 = vector.extract %slice3A_304[0] : f32 from vector<1xf32>
            %mul3A_306 = vector.broadcast %squeeze3A_305 : f32 to vector<16xf32>
            %mul3A_307 = arith.mulf %mul3A_275, %mul3A_306 : vector<16xf32>
            %swap3A_308 = arith.index_cast %scan3A_233 : i32 to index
            %swap3A_309 = arith.constant 48 : index
            %swap3A_310 = tpu.vector_load %arg13[%swap3A_308, %swap3A_309] {strides = array<i32>} : memref<512x80xf32, #tpu.memory_space<vmem>>, vector<1x16xf32>,
            %swap3A_311 = vector.shape_cast %swap3A_310 : vector<1x16xf32> to vector<16xf32>
            %swap3A_312 = vector.shape_cast %mul3A_307 : vector<16xf32> to vector<1x16xf32>
            tpu.vector_store %arg13[%swap3A_308, %swap3A_309], %swap3A_312 {strides = array<i32>} : memref<512x80xf32, #tpu.memory_space<vmem>>, vector<1x16xf32>,
            %slice3A_313 = vector.extract_strided_slice %get3A_279 {offsets = [8], sizes = [1], strides = [1]} : vector<16xf32> to vector<1xf32>
            %squeeze3A_314 = vector.extract %slice3A_313[0] : f32 from vector<1xf32>
            %mul3A_315 = vector.broadcast %squeeze3A_314 : f32 to vector<16xf32>
            %mul3A_316 = arith.mulf %mul3A_275, %mul3A_315 : vector<16xf32>
            %swap3A_317 = arith.index_cast %scan3A_233 : i32 to index
            %swap3A_318 = arith.constant 64 : index
            %swap3A_319 = tpu.vector_load %arg13[%swap3A_317, %swap3A_318] {strides = array<i32>} : memref<512x80xf32, #tpu.memory_space<vmem>>, vector<1x16xf32>,
            %swap3A_320 = vector.shape_cast %swap3A_319 : vector<1x16xf32> to vector<16xf32>
            %swap3A_321 = vector.shape_cast %mul3A_316 : vector<16xf32> to vector<1x16xf32>
            tpu.vector_store %arg13[%swap3A_317, %swap3A_318], %swap3A_321 {strides = array<i32>} : memref<512x80xf32, #tpu.memory_space<vmem>>, vector<1x16xf32>,
          }
          %scan3A_232 = arith.constant 512 : i32
        } else {
        }
        %dma_start3A_147 = arith.constant 0 : i32
        %dma_start3A_148 = arith.constant 0 : i32
        %dma_start3A_149 = arith.constant 0 : i32
        %dma_start3A_150 = tpu.memref_slice %arg13[%dma_start3A_148, %dma_start3A_149] : memref<512x80xf32, #tpu.memory_space<vmem>> -> memref<128x80xf32, #tpu.memory_space<vmem>>
        %dma_start3A_151 = arith.constant 0 : i32
        %dma_start3A_152 = tpu.memref_slice %arg8[%dma_start3A_147, %dma_start3A_151] : memref<4x128xi32, #tpu.memory_space<vmem>> -> memref<1x128xi32, #tpu.memory_space<vmem>>
        %dma_start3A_153 = tpu.memref_squeeze %dma_start3A_152 : memref<1x128xi32, #tpu.memory_space<vmem>> -> memref<128xi32, #tpu.memory_space<vmem>>
        %dma_start3A_154 = arith.constant 0 : i32
        %dma_start3A_155 = arith.constant 0 : i32
        %dma_start3A_156 = tpu.memref_slice %arg14[%dma_start3A_154, %dma_start3A_155] : memref<10240x80xf32, #tpu.memory_space<vmem_shared>> -> memref<10240x80xf32, #tpu.memory_space<vmem_shared>>
        tpu.enqueue_indirect_dma source(%dma_start3A_150 : memref<128x80xf32, #tpu.memory_space<vmem>>) target(%dma_start3A_156 : memref<10240x80xf32, #tpu.memory_space<vmem_shared>>) offsets(%dma_start3A_153 : memref<128xi32, #tpu.memory_space<vmem>>) semaphore(%arg16 : memref<!tpu.dma_semaphore, #tpu.memory_space<semaphore_mem>>) {add = true}
        %dma_start3A_157 = arith.constant 1 : i32
        %dma_start3A_158 = arith.constant 128 : i32
        %dma_start3A_159 = arith.constant 0 : i32
        %dma_start3A_160 = tpu.memref_slice %arg13[%dma_start3A_158, %dma_start3A_159] : memref<512x80xf32, #tpu.memory_space<vmem>> -> memref<128x80xf32, #tpu.memory_space<vmem>>
        %dma_start3A_161 = arith.constant 0 : i32
        %dma_start3A_162 = tpu.memref_slice %arg8[%dma_start3A_157, %dma_start3A_161] : memref<4x128xi32, #tpu.memory_space<vmem>> -> memref<1x128xi32, #tpu.memory_space<vmem>>
        %dma_start3A_163 = tpu.memref_squeeze %dma_start3A_162 : memref<1x128xi32, #tpu.memory_space<vmem>> -> memref<128xi32, #tpu.memory_space<vmem>>
        %dma_start3A_164 = arith.constant 0 : i32
        %dma_start3A_165 = arith.constant 0 : i32
        %dma_start3A_166 = tpu.memref_slice %arg14[%dma_start3A_164, %dma_start3A_165] : memref<10240x80xf32, #tpu.memory_space<vmem_shared>> -> memref<10240x80xf32, #tpu.memory_space<vmem_shared>>
        tpu.enqueue_indirect_dma source(%dma_start3A_160 : memref<128x80xf32, #tpu.memory_space<vmem>>) target(%dma_start3A_166 : memref<10240x80xf32, #tpu.memory_space<vmem_shared>>) offsets(%dma_start3A_163 : memref<128xi32, #tpu.memory_space<vmem>>) semaphore(%arg16 : memref<!tpu.dma_semaphore, #tpu.memory_space<semaphore_mem>>) {add = true}
        %dma_start3A_167 = arith.constant 2 : i32
        %dma_start3A_168 = arith.constant 256 : i32
        %dma_start3A_169 = arith.constant 0 : i32
        %dma_start3A_170 = tpu.memref_slice %arg13[%dma_start3A_168, %dma_start3A_169] : memref<512x80xf32, #tpu.memory_space<vmem>> -> memref<128x80xf32, #tpu.memory_space<vmem>>
        %dma_start3A_171 = arith.constant 0 : i32
        %dma_start3A_172 = tpu.memref_slice %arg8[%dma_start3A_167, %dma_start3A_171] : memref<4x128xi32, #tpu.memory_space<vmem>> -> memref<1x128xi32, #tpu.memory_space<vmem>>
        %dma_start3A_173 = tpu.memref_squeeze %dma_start3A_172 : memref<1x128xi32, #tpu.memory_space<vmem>> -> memref<128xi32, #tpu.memory_space<vmem>>
        %dma_start3A_174 = arith.constant 0 : i32
        %dma_start3A_175 = arith.constant 0 : i32
        %dma_start3A_176 = tpu.memref_slice %arg14[%dma_start3A_174, %dma_start3A_175] : memref<10240x80xf32, #tpu.memory_space<vmem_shared>> -> memref<10240x80xf32, #tpu.memory_space<vmem_shared>>
        tpu.enqueue_indirect_dma source(%dma_start3A_170 : memref<128x80xf32, #tpu.memory_space<vmem>>) target(%dma_start3A_176 : memref<10240x80xf32, #tpu.memory_space<vmem_shared>>) offsets(%dma_start3A_173 : memref<128xi32, #tpu.memory_space<vmem>>) semaphore(%arg16 : memref<!tpu.dma_semaphore, #tpu.memory_space<semaphore_mem>>) {add = true}
        %dma_start3A_177 = arith.constant 3 : i32
        %dma_start3A_178 = arith.constant 384 : i32
        %dma_start3A_179 = arith.constant 0 : i32
        %dma_start3A_180 = tpu.memref_slice %arg13[%dma_start3A_178, %dma_start3A_179] : memref<512x80xf32, #tpu.memory_space<vmem>> -> memref<128x80xf32, #tpu.memory_space<vmem>>
        %dma_start3A_181 = arith.constant 0 : i32
        %dma_start3A_182 = tpu.memref_slice %arg8[%dma_start3A_177, %dma_start3A_181] : memref<4x128xi32, #tpu.memory_space<vmem>> -> memref<1x128xi32, #tpu.memory_space<vmem>>
        %dma_start3A_183 = tpu.memref_squeeze %dma_start3A_182 : memref<1x128xi32, #tpu.memory_space<vmem>> -> memref<128xi32, #tpu.memory_space<vmem>>
        %dma_start3A_184 = arith.constant 0 : i32
        %dma_start3A_185 = arith.constant 0 : i32
        %dma_start3A_186 = tpu.memref_slice %arg14[%dma_start3A_184, %dma_start3A_185] : memref<10240x80xf32, #tpu.memory_space<vmem_shared>> -> memref<10240x80xf32, #tpu.memory_space<vmem_shared>>
        tpu.enqueue_indirect_dma source(%dma_start3A_180 : memref<128x80xf32, #tpu.memory_space<vmem>>) target(%dma_start3A_186 : memref<10240x80xf32, #tpu.memory_space<vmem_shared>>) offsets(%dma_start3A_183 : memref<128xi32, #tpu.memory_space<vmem>>) semaphore(%arg16 : memref<!tpu.dma_semaphore, #tpu.memory_space<semaphore_mem>>) {add = true}
        %dma_wait3A_187 = arith.constant 0 : i32
        %dma_wait3A_188 = arith.constant 0 : i32
        %dma_wait3A_189 = arith.constant 0 : i32
        %dma_wait3A_190 = tpu.memref_slice %arg13[%dma_wait3A_188, %dma_wait3A_189] : memref<512x80xf32, #tpu.memory_space<vmem>> -> memref<128x80xf32, #tpu.memory_space<vmem>>
        %dma_wait3A_191 = arith.constant 0 : i32
        %dma_wait3A_192 = tpu.memref_slice %arg8[%dma_wait3A_187, %dma_wait3A_191] : memref<4x128xi32, #tpu.memory_space<vmem>> -> memref<1x128xi32, #tpu.memory_space<vmem>>
        %dma_wait3A_193 = tpu.memref_squeeze %dma_wait3A_192 : memref<1x128xi32, #tpu.memory_space<vmem>> -> memref<128xi32, #tpu.memory_space<vmem>>
        %dma_wait3A_194 = arith.constant 0 : i32
        %dma_wait3A_195 = arith.constant 0 : i32
        %dma_wait3A_196 = tpu.memref_slice %arg14[%dma_wait3A_194, %dma_wait3A_195] : memref<10240x80xf32, #tpu.memory_space<vmem_shared>> -> memref<10240x80xf32, #tpu.memory_space<vmem_shared>>
        tpu.wait_indirect_dma semaphore(%arg16 : memref<!tpu.dma_semaphore, #tpu.memory_space<semaphore_mem>>) src(%dma_wait3A_190 : memref<128x80xf32, #tpu.memory_space<vmem>>) dst(%dma_wait3A_196 : memref<10240x80xf32, #tpu.memory_space<vmem_shared>>)
        %dma_wait3A_197 = arith.constant 1 : i32
        %dma_wait3A_198 = arith.constant 128 : i32
        %dma_wait3A_199 = arith.constant 0 : i32
        %dma_wait3A_200 = tpu.memref_slice %arg13[%dma_wait3A_198, %dma_wait3A_199] : memref<512x80xf32, #tpu.memory_space<vmem>> -> memref<128x80xf32, #tpu.memory_space<vmem>>
        %dma_wait3A_201 = arith.constant 0 : i32
        %dma_wait3A_202 = tpu.memref_slice %arg8[%dma_wait3A_197, %dma_wait3A_201] : memref<4x128xi32, #tpu.memory_space<vmem>> -> memref<1x128xi32, #tpu.memory_space<vmem>>
        %dma_wait3A_203 = tpu.memref_squeeze %dma_wait3A_202 : memref<1x128xi32, #tpu.memory_space<vmem>> -> memref<128xi32, #tpu.memory_space<vmem>>
        %dma_wait3A_204 = arith.constant 0 : i32
        %dma_wait3A_205 = arith.constant 0 : i32
        %dma_wait3A_206 = tpu.memref_slice %arg14[%dma_wait3A_204, %dma_wait3A_205] : memref<10240x80xf32, #tpu.memory_space<vmem_shared>> -> memref<10240x80xf32, #tpu.memory_space<vmem_shared>>
        tpu.wait_indirect_dma semaphore(%arg16 : memref<!tpu.dma_semaphore, #tpu.memory_space<semaphore_mem>>) src(%dma_wait3A_200 : memref<128x80xf32, #tpu.memory_space<vmem>>) dst(%dma_wait3A_206 : memref<10240x80xf32, #tpu.memory_space<vmem_shared>>)
        %dma_wait3A_207 = arith.constant 2 : i32
        %dma_wait3A_208 = arith.constant 256 : i32
        %dma_wait3A_209 = arith.constant 0 : i32
        %dma_wait3A_210 = tpu.memref_slice %arg13[%dma_wait3A_208, %dma_wait3A_209] : memref<512x80xf32, #tpu.memory_space<vmem>> -> memref<128x80xf32, #tpu.memory_space<vmem>>
        %dma_wait3A_211 = arith.constant 0 : i32
        %dma_wait3A_212 = tpu.memref_slice %arg8[%dma_wait3A_207, %dma_wait3A_211] : memref<4x128xi32, #tpu.memory_space<vmem>> -> memref<1x128xi32, #tpu.memory_space<vmem>>
        %dma_wait3A_213 = tpu.memref_squeeze %dma_wait3A_212 : memref<1x128xi32, #tpu.memory_space<vmem>> -> memref<128xi32, #tpu.memory_space<vmem>>
        %dma_wait3A_214 = arith.constant 0 : i32
        %dma_wait3A_215 = arith.constant 0 : i32
        %dma_wait3A_216 = tpu.memref_slice %arg14[%dma_wait3A_214, %dma_wait3A_215] : memref<10240x80xf32, #tpu.memory_space<vmem_shared>> -> memref<10240x80xf32, #tpu.memory_space<vmem_shared>>
        tpu.wait_indirect_dma semaphore(%arg16 : memref<!tpu.dma_semaphore, #tpu.memory_space<semaphore_mem>>) src(%dma_wait3A_210 : memref<128x80xf32, #tpu.memory_space<vmem>>) dst(%dma_wait3A_216 : memref<10240x80xf32, #tpu.memory_space<vmem_shared>>)
        %dma_wait3A_217 = arith.constant 3 : i32
        %dma_wait3A_218 = arith.constant 384 : i32
        %dma_wait3A_219 = arith.constant 0 : i32
        %dma_wait3A_220 = tpu.memref_slice %arg13[%dma_wait3A_218, %dma_wait3A_219] : memref<512x80xf32, #tpu.memory_space<vmem>> -> memref<128x80xf32, #tpu.memory_space<vmem>>
        %dma_wait3A_221 = arith.constant 0 : i32
        %dma_wait3A_222 = tpu.memref_slice %arg8[%dma_wait3A_217, %dma_wait3A_221] : memref<4x128xi32, #tpu.memory_space<vmem>> -> memref<1x128xi32, #tpu.memory_space<vmem>>
        %dma_wait3A_223 = tpu.memref_squeeze %dma_wait3A_222 : memref<1x128xi32, #tpu.memory_space<vmem>> -> memref<128xi32, #tpu.memory_space<vmem>>
        %dma_wait3A_224 = arith.constant 0 : i32
        %dma_wait3A_225 = arith.constant 0 : i32
        %dma_wait3A_226 = tpu.memref_slice %arg14[%dma_wait3A_224, %dma_wait3A_225] : memref<10240x80xf32, #tpu.memory_space<vmem_shared>> -> memref<10240x80xf32, #tpu.memory_space<vmem_shared>>
        tpu.wait_indirect_dma semaphore(%arg16 : memref<!tpu.dma_semaphore, #tpu.memory_space<semaphore_mem>>) src(%dma_wait3A_220 : memref<128x80xf32, #tpu.memory_space<vmem>>) dst(%dma_wait3A_226 : memref<10240x80xf32, #tpu.memory_space<vmem_shared>>)
      } else {
      }
    }
    %scan3A_14 = arith.constant 40 : i32
    %barrier3A_15 = arith.constant 0 : index
    tpu.barrier barrier_id(%barrier3A_15)
    %mul3A_16 = arith.constant 640 : i32
    %mul3A_17 = arith.muli %arg1, %mul3A_16 : i32
    %mul3A_18 = arith.constant 640 : i32
    %mul3A_19 = arith.muli %arg1, %mul3A_18 : i32
    "tpu.region"() ({
      %run_scoped3A = tpu.sem_alloc : memref<!tpu.dma_semaphore, #tpu.memory_space<semaphore_mem>>
      %dma_start3A = arith.constant 0 : i32
      %dma_start3A_20 = tpu.memref_slice %arg7[%arg0, %mul3A_19, %dma_start3A] : memref<2x10240x80xf32, #tpu.memory_space<hbm>> -> memref<1x640x80xf32, #tpu.memory_space<hbm>>
      %dma_start3A_21 = tpu.memref_squeeze %dma_start3A_20 : memref<1x640x80xf32, #tpu.memory_space<hbm>> -> memref<640x80xf32, #tpu.memory_space<hbm>>
      %dma_start3A_22 = arith.constant 0 : i32
      %dma_start3A_23 = tpu.memref_slice %arg14[%mul3A_17, %dma_start3A_22] : memref<10240x80xf32, #tpu.memory_space<vmem_shared>> -> memref<640x80xf32, #tpu.memory_space<vmem_shared>>
      tpu.enqueue_dma source(%dma_start3A_23 : memref<640x80xf32, #tpu.memory_space<vmem_shared>>) target(%dma_start3A_21 : memref<640x80xf32, #tpu.memory_space<hbm>>) target_semaphore(%run_scoped3A : memref<!tpu.dma_semaphore, #tpu.memory_space<semaphore_mem>>)
      %dma_wait3A = arith.constant 0 : i32
      %dma_wait3A_24 = tpu.memref_slice %arg7[%arg0, %mul3A_19, %dma_wait3A] : memref<2x10240x80xf32, #tpu.memory_space<hbm>> -> memref<1x640x80xf32, #tpu.memory_space<hbm>>
      %dma_wait3A_25 = tpu.memref_squeeze %dma_wait3A_24 : memref<1x640x80xf32, #tpu.memory_space<hbm>> -> memref<640x80xf32, #tpu.memory_space<hbm>>
      %dma_wait3A_26 = arith.constant 0 : i32
      %dma_wait3A_27 = tpu.memref_slice %arg14[%mul3A_17, %dma_wait3A_26] : memref<10240x80xf32, #tpu.memory_space<vmem_shared>> -> memref<640x80xf32, #tpu.memory_space<vmem_shared>>
      tpu.wait_dma2 semaphore(%run_scoped3A : memref<!tpu.dma_semaphore, #tpu.memory_space<semaphore_mem>>) src(%dma_wait3A_27 : memref<640x80xf32, #tpu.memory_space<vmem_shared>>) dst(%dma_wait3A_25 : memref<640x80xf32, #tpu.memory_space<hbm>>)
      tpu.yield
    }) : () -> ()
    return
  }
}

module attributes {stable_mosaic.version = 14 : i64} {
  func.func @_y_kernel(%arg0: i32, %arg1: memref<256x128xf32, #tpu.memory_space<vmem>>, %arg2: memref<256x128xf32, #tpu.memory_space<vmem>>, %arg3: memref<256x128xf32, #tpu.memory_space<vmem>>, %arg4: memref<256x128xf32, #tpu.memory_space<vmem>>, %arg5: memref<16x256x128xf32, #tpu.memory_space<vmem>>, %arg6: memref<16x256x128xf32, #tpu.memory_space<vmem>>) attributes {dimension_semantics = [#tpu.dimension_semantics<arbitrary>], iteration_bounds = array<i64: 10>, scalar_prefetch = 0 : i64, scratch_operands = 0 : i64, tpu.core_type = #tpu.core_type<tc>, window_params = [{transform_indices = @transform_0, window_bounds = array<i64: 256, 128>}, {transform_indices = @transform_1, window_bounds = array<i64: 256, 128>}, {transform_indices = @transform_2, window_bounds = array<i64: 256, 128>}, {transform_indices = @transform_3, window_bounds = array<i64: 256, 128>}, {transform_indices = @transform_4, window_bounds = array<i64: 16, 256, 128>}, {transform_indices = @transform_5, window_bounds = array<i64: 16, 256, 128>}]} {
    %get3A = arith.constant 0 : index
    %get3A_0 = arith.constant 0 : index
    %get3A_1 = vector.load %arg1[%get3A, %get3A_0] : memref<256x128xf32, #tpu.memory_space<vmem>>, vector<256x128xf32>
    %mul3A = arith.constant 3.14159274 : f32
    %mul3A_2 = vector.broadcast %mul3A : f32 to vector<256x128xf32>
    %mul3A_3 = arith.mulf %mul3A_2, %get3A_1 : vector<256x128xf32>
    %div3A = arith.constant 5.000000e+00 : f32
    %div3A_4 = vector.broadcast %div3A : f32 to vector<256x128xf32>
    %div3A_5 = arith.divf %mul3A_3, %div3A_4 : vector<256x128xf32>
    %sin3A = math.sin %div3A_5 : vector<256x128xf32>
    %mul3A_6 = arith.constant 0.632455527 : f32
    %mul3A_7 = vector.broadcast %mul3A_6 : f32 to vector<256x128xf32>
    %mul3A_8 = arith.mulf %mul3A_7, %sin3A : vector<256x128xf32>
    %div3A_9 = arith.divf %mul3A_8, %get3A_1 : vector<256x128xf32>
    %swap3A = arith.constant 0 : index
    %swap3A_10 = arith.constant 0 : index
    %swap3A_11 = arith.constant 0 : index
    %swap3A_12 = vector.load %arg6[%swap3A, %swap3A_10, %swap3A_11] : memref<16x256x128xf32, #tpu.memory_space<vmem>>, vector<1x256x128xf32>
    %swap3A_13 = vector.shape_cast %swap3A_12 : vector<1x256x128xf32> to vector<256x128xf32>
    %swap3A_14 = vector.shape_cast %div3A_9 : vector<256x128xf32> to vector<1x256x128xf32>
    tpu.vector_store %arg6[%swap3A, %swap3A_10, %swap3A_11], %swap3A_14 {strides = array<i32>} : memref<16x256x128xf32, #tpu.memory_space<vmem>>, vector<1x256x128xf32>,
    %mul3A_15 = arith.constant 6.28318548 : f32
    %mul3A_16 = vector.broadcast %mul3A_15 : f32 to vector<256x128xf32>
    %mul3A_17 = arith.mulf %mul3A_16, %get3A_1 : vector<256x128xf32>
    %div3A_18 = arith.constant 5.000000e+00 : f32
    %div3A_19 = vector.broadcast %div3A_18 : f32 to vector<256x128xf32>
    %div3A_20 = arith.divf %mul3A_17, %div3A_19 : vector<256x128xf32>
    %sin3A_21 = math.sin %div3A_20 : vector<256x128xf32>
    %mul3A_22 = arith.constant 0.632455527 : f32
    %mul3A_23 = vector.broadcast %mul3A_22 : f32 to vector<256x128xf32>
    %mul3A_24 = arith.mulf %mul3A_23, %sin3A_21 : vector<256x128xf32>
    %div3A_25 = arith.divf %mul3A_24, %get3A_1 : vector<256x128xf32>
    %swap3A_26 = arith.constant 1 : index
    %swap3A_27 = arith.constant 0 : index
    %swap3A_28 = arith.constant 0 : index
    %swap3A_29 = vector.load %arg6[%swap3A_26, %swap3A_27, %swap3A_28] : memref<16x256x128xf32, #tpu.memory_space<vmem>>, vector<1x256x128xf32>
    %swap3A_30 = vector.shape_cast %swap3A_29 : vector<1x256x128xf32> to vector<256x128xf32>
    %swap3A_31 = vector.shape_cast %div3A_25 : vector<256x128xf32> to vector<1x256x128xf32>
    tpu.vector_store %arg6[%swap3A_26, %swap3A_27, %swap3A_28], %swap3A_31 {strides = array<i32>} : memref<16x256x128xf32, #tpu.memory_space<vmem>>, vector<1x256x128xf32>,
    %mul3A_32 = arith.constant 9.42477798 : f32
    %mul3A_33 = vector.broadcast %mul3A_32 : f32 to vector<256x128xf32>
    %mul3A_34 = arith.mulf %mul3A_33, %get3A_1 : vector<256x128xf32>
    %div3A_35 = arith.constant 5.000000e+00 : f32
    %div3A_36 = vector.broadcast %div3A_35 : f32 to vector<256x128xf32>
    %div3A_37 = arith.divf %mul3A_34, %div3A_36 : vector<256x128xf32>
    %sin3A_38 = math.sin %div3A_37 : vector<256x128xf32>
    %mul3A_39 = arith.constant 0.632455527 : f32
    %mul3A_40 = vector.broadcast %mul3A_39 : f32 to vector<256x128xf32>
    %mul3A_41 = arith.mulf %mul3A_40, %sin3A_38 : vector<256x128xf32>
    %div3A_42 = arith.divf %mul3A_41, %get3A_1 : vector<256x128xf32>
    %swap3A_43 = arith.constant 2 : index
    %swap3A_44 = arith.constant 0 : index
    %swap3A_45 = arith.constant 0 : index
    %swap3A_46 = vector.load %arg6[%swap3A_43, %swap3A_44, %swap3A_45] : memref<16x256x128xf32, #tpu.memory_space<vmem>>, vector<1x256x128xf32>
    %swap3A_47 = vector.shape_cast %swap3A_46 : vector<1x256x128xf32> to vector<256x128xf32>
    %swap3A_48 = vector.shape_cast %div3A_42 : vector<256x128xf32> to vector<1x256x128xf32>
    tpu.vector_store %arg6[%swap3A_43, %swap3A_44, %swap3A_45], %swap3A_48 {strides = array<i32>} : memref<16x256x128xf32, #tpu.memory_space<vmem>>, vector<1x256x128xf32>,
    %mul3A_49 = arith.constant 12.566371 : f32
    %mul3A_50 = vector.broadcast %mul3A_49 : f32 to vector<256x128xf32>
    %mul3A_51 = arith.mulf %mul3A_50, %get3A_1 : vector<256x128xf32>
    %div3A_52 = arith.constant 5.000000e+00 : f32
    %div3A_53 = vector.broadcast %div3A_52 : f32 to vector<256x128xf32>
    %div3A_54 = arith.divf %mul3A_51, %div3A_53 : vector<256x128xf32>
    %sin3A_55 = math.sin %div3A_54 : vector<256x128xf32>
    %mul3A_56 = arith.constant 0.632455527 : f32
    %mul3A_57 = vector.broadcast %mul3A_56 : f32 to vector<256x128xf32>
    %mul3A_58 = arith.mulf %mul3A_57, %sin3A_55 : vector<256x128xf32>
    %div3A_59 = arith.divf %mul3A_58, %get3A_1 : vector<256x128xf32>
    %swap3A_60 = arith.constant 3 : index
    %swap3A_61 = arith.constant 0 : index
    %swap3A_62 = arith.constant 0 : index
    %swap3A_63 = vector.load %arg6[%swap3A_60, %swap3A_61, %swap3A_62] : memref<16x256x128xf32, #tpu.memory_space<vmem>>, vector<1x256x128xf32>
    %swap3A_64 = vector.shape_cast %swap3A_63 : vector<1x256x128xf32> to vector<256x128xf32>
    %swap3A_65 = vector.shape_cast %div3A_59 : vector<256x128xf32> to vector<1x256x128xf32>
    tpu.vector_store %arg6[%swap3A_60, %swap3A_61, %swap3A_62], %swap3A_65 {strides = array<i32>} : memref<16x256x128xf32, #tpu.memory_space<vmem>>, vector<1x256x128xf32>,
    %mul3A_66 = arith.constant 15.7079639 : f32
    %mul3A_67 = vector.broadcast %mul3A_66 : f32 to vector<256x128xf32>
    %mul3A_68 = arith.mulf %mul3A_67, %get3A_1 : vector<256x128xf32>
    %div3A_69 = arith.constant 5.000000e+00 : f32
    %div3A_70 = vector.broadcast %div3A_69 : f32 to vector<256x128xf32>
    %div3A_71 = arith.divf %mul3A_68, %div3A_70 : vector<256x128xf32>
    %sin3A_72 = math.sin %div3A_71 : vector<256x128xf32>
    %mul3A_73 = arith.constant 0.632455527 : f32
    %mul3A_74 = vector.broadcast %mul3A_73 : f32 to vector<256x128xf32>
    %mul3A_75 = arith.mulf %mul3A_74, %sin3A_72 : vector<256x128xf32>
    %div3A_76 = arith.divf %mul3A_75, %get3A_1 : vector<256x128xf32>
    %swap3A_77 = arith.constant 4 : index
    %swap3A_78 = arith.constant 0 : index
    %swap3A_79 = arith.constant 0 : index
    %swap3A_80 = vector.load %arg6[%swap3A_77, %swap3A_78, %swap3A_79] : memref<16x256x128xf32, #tpu.memory_space<vmem>>, vector<1x256x128xf32>
    %swap3A_81 = vector.shape_cast %swap3A_80 : vector<1x256x128xf32> to vector<256x128xf32>
    %swap3A_82 = vector.shape_cast %div3A_76 : vector<256x128xf32> to vector<1x256x128xf32>
    tpu.vector_store %arg6[%swap3A_77, %swap3A_78, %swap3A_79], %swap3A_82 {strides = array<i32>} : memref<16x256x128xf32, #tpu.memory_space<vmem>>, vector<1x256x128xf32>,
    %mul3A_83 = arith.constant 18.849556 : f32
    %mul3A_84 = vector.broadcast %mul3A_83 : f32 to vector<256x128xf32>
    %mul3A_85 = arith.mulf %mul3A_84, %get3A_1 : vector<256x128xf32>
    %div3A_86 = arith.constant 5.000000e+00 : f32
    %div3A_87 = vector.broadcast %div3A_86 : f32 to vector<256x128xf32>
    %div3A_88 = arith.divf %mul3A_85, %div3A_87 : vector<256x128xf32>
    %sin3A_89 = math.sin %div3A_88 : vector<256x128xf32>
    %mul3A_90 = arith.constant 0.632455527 : f32
    %mul3A_91 = vector.broadcast %mul3A_90 : f32 to vector<256x128xf32>
    %mul3A_92 = arith.mulf %mul3A_91, %sin3A_89 : vector<256x128xf32>
    %div3A_93 = arith.divf %mul3A_92, %get3A_1 : vector<256x128xf32>
    %swap3A_94 = arith.constant 5 : index
    %swap3A_95 = arith.constant 0 : index
    %swap3A_96 = arith.constant 0 : index
    %swap3A_97 = vector.load %arg6[%swap3A_94, %swap3A_95, %swap3A_96] : memref<16x256x128xf32, #tpu.memory_space<vmem>>, vector<1x256x128xf32>
    %swap3A_98 = vector.shape_cast %swap3A_97 : vector<1x256x128xf32> to vector<256x128xf32>
    %swap3A_99 = vector.shape_cast %div3A_93 : vector<256x128xf32> to vector<1x256x128xf32>
    tpu.vector_store %arg6[%swap3A_94, %swap3A_95, %swap3A_96], %swap3A_99 {strides = array<i32>} : memref<16x256x128xf32, #tpu.memory_space<vmem>>, vector<1x256x128xf32>,
    %mul3A_100 = arith.constant 21.9911499 : f32
    %mul3A_101 = vector.broadcast %mul3A_100 : f32 to vector<256x128xf32>
    %mul3A_102 = arith.mulf %mul3A_101, %get3A_1 : vector<256x128xf32>
    %div3A_103 = arith.constant 5.000000e+00 : f32
    %div3A_104 = vector.broadcast %div3A_103 : f32 to vector<256x128xf32>
    %div3A_105 = arith.divf %mul3A_102, %div3A_104 : vector<256x128xf32>
    %sin3A_106 = math.sin %div3A_105 : vector<256x128xf32>
    %mul3A_107 = arith.constant 0.632455527 : f32
    %mul3A_108 = vector.broadcast %mul3A_107 : f32 to vector<256x128xf32>
    %mul3A_109 = arith.mulf %mul3A_108, %sin3A_106 : vector<256x128xf32>
    %div3A_110 = arith.divf %mul3A_109, %get3A_1 : vector<256x128xf32>
    %swap3A_111 = arith.constant 6 : index
    %swap3A_112 = arith.constant 0 : index
    %swap3A_113 = arith.constant 0 : index
    %swap3A_114 = vector.load %arg6[%swap3A_111, %swap3A_112, %swap3A_113] : memref<16x256x128xf32, #tpu.memory_space<vmem>>, vector<1x256x128xf32>
    %swap3A_115 = vector.shape_cast %swap3A_114 : vector<1x256x128xf32> to vector<256x128xf32>
    %swap3A_116 = vector.shape_cast %div3A_110 : vector<256x128xf32> to vector<1x256x128xf32>
    tpu.vector_store %arg6[%swap3A_111, %swap3A_112, %swap3A_113], %swap3A_116 {strides = array<i32>} : memref<16x256x128xf32, #tpu.memory_space<vmem>>, vector<1x256x128xf32>,
    %mul3A_117 = arith.constant 25.1327419 : f32
    %mul3A_118 = vector.broadcast %mul3A_117 : f32 to vector<256x128xf32>
    %mul3A_119 = arith.mulf %mul3A_118, %get3A_1 : vector<256x128xf32>
    %div3A_120 = arith.constant 5.000000e+00 : f32
    %div3A_121 = vector.broadcast %div3A_120 : f32 to vector<256x128xf32>
    %div3A_122 = arith.divf %mul3A_119, %div3A_121 : vector<256x128xf32>
    %sin3A_123 = math.sin %div3A_122 : vector<256x128xf32>
    %mul3A_124 = arith.constant 0.632455527 : f32
    %mul3A_125 = vector.broadcast %mul3A_124 : f32 to vector<256x128xf32>
    %mul3A_126 = arith.mulf %mul3A_125, %sin3A_123 : vector<256x128xf32>
    %div3A_127 = arith.divf %mul3A_126, %get3A_1 : vector<256x128xf32>
    %swap3A_128 = arith.constant 7 : index
    %swap3A_129 = arith.constant 0 : index
    %swap3A_130 = arith.constant 0 : index
    %swap3A_131 = vector.load %arg6[%swap3A_128, %swap3A_129, %swap3A_130] : memref<16x256x128xf32, #tpu.memory_space<vmem>>, vector<1x256x128xf32>
    %swap3A_132 = vector.shape_cast %swap3A_131 : vector<1x256x128xf32> to vector<256x128xf32>
    %swap3A_133 = vector.shape_cast %div3A_127 : vector<256x128xf32> to vector<1x256x128xf32>
    tpu.vector_store %arg6[%swap3A_128, %swap3A_129, %swap3A_130], %swap3A_133 {strides = array<i32>} : memref<16x256x128xf32, #tpu.memory_space<vmem>>, vector<1x256x128xf32>,
    %broadcast_in_dim3A = arith.constant 0.000000e+00 : f32
    %broadcast_in_dim3A_134 = vector.broadcast %broadcast_in_dim3A : f32 to vector<256x128xf32>
    %swap3A_135 = arith.constant 8 : index
    %swap3A_136 = arith.constant 0 : index
    %swap3A_137 = arith.constant 0 : index
    %swap3A_138 = vector.load %arg6[%swap3A_135, %swap3A_136, %swap3A_137] : memref<16x256x128xf32, #tpu.memory_space<vmem>>, vector<1x256x128xf32>
    %swap3A_139 = vector.shape_cast %swap3A_138 : vector<1x256x128xf32> to vector<256x128xf32>
    %swap3A_140 = vector.shape_cast %broadcast_in_dim3A_134 : vector<256x128xf32> to vector<1x256x128xf32>
    tpu.vector_store %arg6[%swap3A_135, %swap3A_136, %swap3A_137], %swap3A_140 {strides = array<i32>} : memref<16x256x128xf32, #tpu.memory_space<vmem>>, vector<1x256x128xf32>,
    %swap3A_141 = arith.constant 9 : index
    %swap3A_142 = arith.constant 0 : index
    %swap3A_143 = arith.constant 0 : index
    %swap3A_144 = vector.load %arg6[%swap3A_141, %swap3A_142, %swap3A_143] : memref<16x256x128xf32, #tpu.memory_space<vmem>>, vector<1x256x128xf32>
    %swap3A_145 = vector.shape_cast %swap3A_144 : vector<1x256x128xf32> to vector<256x128xf32>
    %swap3A_146 = vector.shape_cast %broadcast_in_dim3A_134 : vector<256x128xf32> to vector<1x256x128xf32>
    tpu.vector_store %arg6[%swap3A_141, %swap3A_142, %swap3A_143], %swap3A_146 {strides = array<i32>} : memref<16x256x128xf32, #tpu.memory_space<vmem>>, vector<1x256x128xf32>,
    %swap3A_147 = arith.constant 10 : index
    %swap3A_148 = arith.constant 0 : index
    %swap3A_149 = arith.constant 0 : index
    %swap3A_150 = vector.load %arg6[%swap3A_147, %swap3A_148, %swap3A_149] : memref<16x256x128xf32, #tpu.memory_space<vmem>>, vector<1x256x128xf32>
    %swap3A_151 = vector.shape_cast %swap3A_150 : vector<1x256x128xf32> to vector<256x128xf32>
    %swap3A_152 = vector.shape_cast %broadcast_in_dim3A_134 : vector<256x128xf32> to vector<1x256x128xf32>
    tpu.vector_store %arg6[%swap3A_147, %swap3A_148, %swap3A_149], %swap3A_152 {strides = array<i32>} : memref<16x256x128xf32, #tpu.memory_space<vmem>>, vector<1x256x128xf32>,
    %swap3A_153 = arith.constant 11 : index
    %swap3A_154 = arith.constant 0 : index
    %swap3A_155 = arith.constant 0 : index
    %swap3A_156 = vector.load %arg6[%swap3A_153, %swap3A_154, %swap3A_155] : memref<16x256x128xf32, #tpu.memory_space<vmem>>, vector<1x256x128xf32>
    %swap3A_157 = vector.shape_cast %swap3A_156 : vector<1x256x128xf32> to vector<256x128xf32>
    %swap3A_158 = vector.shape_cast %broadcast_in_dim3A_134 : vector<256x128xf32> to vector<1x256x128xf32>
    tpu.vector_store %arg6[%swap3A_153, %swap3A_154, %swap3A_155], %swap3A_158 {strides = array<i32>} : memref<16x256x128xf32, #tpu.memory_space<vmem>>, vector<1x256x128xf32>,
    %swap3A_159 = arith.constant 12 : index
    %swap3A_160 = arith.constant 0 : index
    %swap3A_161 = arith.constant 0 : index
    %swap3A_162 = vector.load %arg6[%swap3A_159, %swap3A_160, %swap3A_161] : memref<16x256x128xf32, #tpu.memory_space<vmem>>, vector<1x256x128xf32>
    %swap3A_163 = vector.shape_cast %swap3A_162 : vector<1x256x128xf32> to vector<256x128xf32>
    %swap3A_164 = vector.shape_cast %broadcast_in_dim3A_134 : vector<256x128xf32> to vector<1x256x128xf32>
    tpu.vector_store %arg6[%swap3A_159, %swap3A_160, %swap3A_161], %swap3A_164 {strides = array<i32>} : memref<16x256x128xf32, #tpu.memory_space<vmem>>, vector<1x256x128xf32>,
    %swap3A_165 = arith.constant 13 : index
    %swap3A_166 = arith.constant 0 : index
    %swap3A_167 = arith.constant 0 : index
    %swap3A_168 = vector.load %arg6[%swap3A_165, %swap3A_166, %swap3A_167] : memref<16x256x128xf32, #tpu.memory_space<vmem>>, vector<1x256x128xf32>
    %swap3A_169 = vector.shape_cast %swap3A_168 : vector<1x256x128xf32> to vector<256x128xf32>
    %swap3A_170 = vector.shape_cast %broadcast_in_dim3A_134 : vector<256x128xf32> to vector<1x256x128xf32>
    tpu.vector_store %arg6[%swap3A_165, %swap3A_166, %swap3A_167], %swap3A_170 {strides = array<i32>} : memref<16x256x128xf32, #tpu.memory_space<vmem>>, vector<1x256x128xf32>,
    %swap3A_171 = arith.constant 14 : index
    %swap3A_172 = arith.constant 0 : index
    %swap3A_173 = arith.constant 0 : index
    %swap3A_174 = vector.load %arg6[%swap3A_171, %swap3A_172, %swap3A_173] : memref<16x256x128xf32, #tpu.memory_space<vmem>>, vector<1x256x128xf32>
    %swap3A_175 = vector.shape_cast %swap3A_174 : vector<1x256x128xf32> to vector<256x128xf32>
    %swap3A_176 = vector.shape_cast %broadcast_in_dim3A_134 : vector<256x128xf32> to vector<1x256x128xf32>
    tpu.vector_store %arg6[%swap3A_171, %swap3A_172, %swap3A_173], %swap3A_176 {strides = array<i32>} : memref<16x256x128xf32, #tpu.memory_space<vmem>>, vector<1x256x128xf32>,
    %swap3A_177 = arith.constant 15 : index
    %swap3A_178 = arith.constant 0 : index
    %swap3A_179 = arith.constant 0 : index
    %swap3A_180 = vector.load %arg6[%swap3A_177, %swap3A_178, %swap3A_179] : memref<16x256x128xf32, #tpu.memory_space<vmem>>, vector<1x256x128xf32>
    %swap3A_181 = vector.shape_cast %swap3A_180 : vector<1x256x128xf32> to vector<256x128xf32>
    %swap3A_182 = vector.shape_cast %broadcast_in_dim3A_134 : vector<256x128xf32> to vector<1x256x128xf32>
    tpu.vector_store %arg6[%swap3A_177, %swap3A_178, %swap3A_179], %swap3A_182 {strides = array<i32>} : memref<16x256x128xf32, #tpu.memory_space<vmem>>, vector<1x256x128xf32>,
    %div3A_183 = arith.constant 1.000000e+00 : f32
    %div3A_184 = vector.broadcast %div3A_183 : f32 to vector<256x128xf32>
    %div3A_185 = arith.divf %div3A_184, %get3A_1 : vector<256x128xf32>
    %get3A_186 = arith.constant 0 : index
    %get3A_187 = arith.constant 0 : index
    %get3A_188 = vector.load %arg2[%get3A_186, %get3A_187] : memref<256x128xf32, #tpu.memory_space<vmem>>, vector<256x128xf32>
    %mul3A_189 = arith.mulf %get3A_188, %div3A_185 : vector<256x128xf32>
    %get3A_190 = arith.constant 0 : index
    %get3A_191 = arith.constant 0 : index
    %get3A_192 = vector.load %arg3[%get3A_190, %get3A_191] : memref<256x128xf32, #tpu.memory_space<vmem>>, vector<256x128xf32>
    %mul3A_193 = arith.mulf %get3A_192, %div3A_185 : vector<256x128xf32>
    %get3A_194 = arith.constant 0 : index
    %get3A_195 = arith.constant 0 : index
    %get3A_196 = vector.load %arg4[%get3A_194, %get3A_195] : memref<256x128xf32, #tpu.memory_space<vmem>>, vector<256x128xf32>
    %mul3A_197 = arith.mulf %get3A_196, %div3A_185 : vector<256x128xf32>
    %broadcast_in_dim3A_198 = arith.constant 1.000000e+00 : f32
    %broadcast_in_dim3A_199 = vector.broadcast %broadcast_in_dim3A_198 : f32 to vector<256x128xf32>
    %swap3A_200 = arith.constant 0 : index
    %swap3A_201 = arith.constant 0 : index
    %swap3A_202 = arith.constant 0 : index
    %swap3A_203 = vector.load %arg5[%swap3A_200, %swap3A_201, %swap3A_202] : memref<16x256x128xf32, #tpu.memory_space<vmem>>, vector<1x256x128xf32>
    %swap3A_204 = vector.shape_cast %swap3A_203 : vector<1x256x128xf32> to vector<256x128xf32>
    %swap3A_205 = vector.shape_cast %broadcast_in_dim3A_199 : vector<256x128xf32> to vector<1x256x128xf32>
    tpu.vector_store %arg5[%swap3A_200, %swap3A_201, %swap3A_202], %swap3A_205 {strides = array<i32>} : memref<16x256x128xf32, #tpu.memory_space<vmem>>, vector<1x256x128xf32>,
    %mul3A_206 = arith.constant 1.73205078 : f32
    %mul3A_207 = vector.broadcast %mul3A_206 : f32 to vector<256x128xf32>
    %mul3A_208 = arith.mulf %mul3A_207, %mul3A_193 : vector<256x128xf32>
    %swap3A_209 = arith.constant 1 : index
    %swap3A_210 = arith.constant 0 : index
    %swap3A_211 = arith.constant 0 : index
    %swap3A_212 = vector.load %arg5[%swap3A_209, %swap3A_210, %swap3A_211] : memref<16x256x128xf32, #tpu.memory_space<vmem>>, vector<1x256x128xf32>
    %swap3A_213 = vector.shape_cast %swap3A_212 : vector<1x256x128xf32> to vector<256x128xf32>
    %swap3A_214 = vector.shape_cast %mul3A_208 : vector<256x128xf32> to vector<1x256x128xf32>
    tpu.vector_store %arg5[%swap3A_209, %swap3A_210, %swap3A_211], %swap3A_214 {strides = array<i32>} : memref<16x256x128xf32, #tpu.memory_space<vmem>>, vector<1x256x128xf32>,
    %mul3A_215 = arith.constant 1.73205078 : f32
    %mul3A_216 = vector.broadcast %mul3A_215 : f32 to vector<256x128xf32>
    %mul3A_217 = arith.mulf %mul3A_216, %mul3A_197 : vector<256x128xf32>
    %swap3A_218 = arith.constant 2 : index
    %swap3A_219 = arith.constant 0 : index
    %swap3A_220 = arith.constant 0 : index
    %swap3A_221 = vector.load %arg5[%swap3A_218, %swap3A_219, %swap3A_220] : memref<16x256x128xf32, #tpu.memory_space<vmem>>, vector<1x256x128xf32>
    %swap3A_222 = vector.shape_cast %swap3A_221 : vector<1x256x128xf32> to vector<256x128xf32>
    %swap3A_223 = vector.shape_cast %mul3A_217 : vector<256x128xf32> to vector<1x256x128xf32>
    tpu.vector_store %arg5[%swap3A_218, %swap3A_219, %swap3A_220], %swap3A_223 {strides = array<i32>} : memref<16x256x128xf32, #tpu.memory_space<vmem>>, vector<1x256x128xf32>,
    %mul3A_224 = arith.constant 1.73205078 : f32
    %mul3A_225 = vector.broadcast %mul3A_224 : f32 to vector<256x128xf32>
    %mul3A_226 = arith.mulf %mul3A_225, %mul3A_189 : vector<256x128xf32>
    %swap3A_227 = arith.constant 3 : index
    %swap3A_228 = arith.constant 0 : index
    %swap3A_229 = arith.constant 0 : index
    %swap3A_230 = vector.load %arg5[%swap3A_227, %swap3A_228, %swap3A_229] : memref<16x256x128xf32, #tpu.memory_space<vmem>>, vector<1x256x128xf32>
    %swap3A_231 = vector.shape_cast %swap3A_230 : vector<1x256x128xf32> to vector<256x128xf32>
    %swap3A_232 = vector.shape_cast %mul3A_226 : vector<256x128xf32> to vector<1x256x128xf32>
    tpu.vector_store %arg5[%swap3A_227, %swap3A_228, %swap3A_229], %swap3A_232 {strides = array<i32>} : memref<16x256x128xf32, #tpu.memory_space<vmem>>, vector<1x256x128xf32>,
    %mul3A_233 = arith.constant 3.87298346 : f32
    %mul3A_234 = vector.broadcast %mul3A_233 : f32 to vector<256x128xf32>
    %mul3A_235 = arith.mulf %mul3A_234, %mul3A_189 : vector<256x128xf32>
    %mul3A_236 = arith.mulf %mul3A_235, %mul3A_193 : vector<256x128xf32>
    %swap3A_237 = arith.constant 4 : index
    %swap3A_238 = arith.constant 0 : index
    %swap3A_239 = arith.constant 0 : index
    %swap3A_240 = vector.load %arg5[%swap3A_237, %swap3A_238, %swap3A_239] : memref<16x256x128xf32, #tpu.memory_space<vmem>>, vector<1x256x128xf32>
    %swap3A_241 = vector.shape_cast %swap3A_240 : vector<1x256x128xf32> to vector<256x128xf32>
    %swap3A_242 = vector.shape_cast %mul3A_236 : vector<256x128xf32> to vector<1x256x128xf32>
    tpu.vector_store %arg5[%swap3A_237, %swap3A_238, %swap3A_239], %swap3A_242 {strides = array<i32>} : memref<16x256x128xf32, #tpu.memory_space<vmem>>, vector<1x256x128xf32>,
    %mul3A_243 = arith.constant 3.87298346 : f32
    %mul3A_244 = vector.broadcast %mul3A_243 : f32 to vector<256x128xf32>
    %mul3A_245 = arith.mulf %mul3A_244, %mul3A_193 : vector<256x128xf32>
    %mul3A_246 = arith.mulf %mul3A_245, %mul3A_197 : vector<256x128xf32>
    %swap3A_247 = arith.constant 5 : index
    %swap3A_248 = arith.constant 0 : index
    %swap3A_249 = arith.constant 0 : index
    %swap3A_250 = vector.load %arg5[%swap3A_247, %swap3A_248, %swap3A_249] : memref<16x256x128xf32, #tpu.memory_space<vmem>>, vector<1x256x128xf32>
    %swap3A_251 = vector.shape_cast %swap3A_250 : vector<1x256x128xf32> to vector<256x128xf32>
    %swap3A_252 = vector.shape_cast %mul3A_246 : vector<256x128xf32> to vector<1x256x128xf32>
    tpu.vector_store %arg5[%swap3A_247, %swap3A_248, %swap3A_249], %swap3A_252 {strides = array<i32>} : memref<16x256x128xf32, #tpu.memory_space<vmem>>, vector<1x256x128xf32>,
    %mul3A_253 = arith.constant 2.000000e+00 : f32
    %mul3A_254 = vector.broadcast %mul3A_253 : f32 to vector<256x128xf32>
    %mul3A_255 = arith.mulf %mul3A_254, %mul3A_197 : vector<256x128xf32>
    %mul3A_256 = arith.mulf %mul3A_255, %mul3A_197 : vector<256x128xf32>
    %mul3A_257 = arith.mulf %mul3A_189, %mul3A_189 : vector<256x128xf32>
    %sub3A = arith.subf %mul3A_256, %mul3A_257 : vector<256x128xf32>
    %mul3A_258 = arith.mulf %mul3A_193, %mul3A_193 : vector<256x128xf32>
    %sub3A_259 = arith.subf %sub3A, %mul3A_258 : vector<256x128xf32>
    %mul3A_260 = arith.constant 1.11803401 : f32
    %mul3A_261 = vector.broadcast %mul3A_260 : f32 to vector<256x128xf32>
    %mul3A_262 = arith.mulf %mul3A_261, %sub3A_259 : vector<256x128xf32>
    %swap3A_263 = arith.constant 6 : index
    %swap3A_264 = arith.constant 0 : index
    %swap3A_265 = arith.constant 0 : index
    %swap3A_266 = vector.load %arg5[%swap3A_263, %swap3A_264, %swap3A_265] : memref<16x256x128xf32, #tpu.memory_space<vmem>>, vector<1x256x128xf32>
    %swap3A_267 = vector.shape_cast %swap3A_266 : vector<1x256x128xf32> to vector<256x128xf32>
    %swap3A_268 = vector.shape_cast %mul3A_262 : vector<256x128xf32> to vector<1x256x128xf32>
    tpu.vector_store %arg5[%swap3A_263, %swap3A_264, %swap3A_265], %swap3A_268 {strides = array<i32>} : memref<16x256x128xf32, #tpu.memory_space<vmem>>, vector<1x256x128xf32>,
    %mul3A_269 = arith.constant 3.87298346 : f32
    %mul3A_270 = vector.broadcast %mul3A_269 : f32 to vector<256x128xf32>
    %mul3A_271 = arith.mulf %mul3A_270, %mul3A_189 : vector<256x128xf32>
    %mul3A_272 = arith.mulf %mul3A_271, %mul3A_197 : vector<256x128xf32>
    %swap3A_273 = arith.constant 7 : index
    %swap3A_274 = arith.constant 0 : index
    %swap3A_275 = arith.constant 0 : index
    %swap3A_276 = vector.load %arg5[%swap3A_273, %swap3A_274, %swap3A_275] : memref<16x256x128xf32, #tpu.memory_space<vmem>>, vector<1x256x128xf32>
    %swap3A_277 = vector.shape_cast %swap3A_276 : vector<1x256x128xf32> to vector<256x128xf32>
    %swap3A_278 = vector.shape_cast %mul3A_272 : vector<256x128xf32> to vector<1x256x128xf32>
    tpu.vector_store %arg5[%swap3A_273, %swap3A_274, %swap3A_275], %swap3A_278 {strides = array<i32>} : memref<16x256x128xf32, #tpu.memory_space<vmem>>, vector<1x256x128xf32>,
    %mul3A_279 = arith.mulf %mul3A_189, %mul3A_189 : vector<256x128xf32>
    %mul3A_280 = arith.mulf %mul3A_193, %mul3A_193 : vector<256x128xf32>
    %sub3A_281 = arith.subf %mul3A_279, %mul3A_280 : vector<256x128xf32>
    %mul3A_282 = arith.constant 1.93649173 : f32
    %mul3A_283 = vector.broadcast %mul3A_282 : f32 to vector<256x128xf32>
    %mul3A_284 = arith.mulf %mul3A_283, %sub3A_281 : vector<256x128xf32>
    %swap3A_285 = arith.constant 8 : index
    %swap3A_286 = arith.constant 0 : index
    %swap3A_287 = arith.constant 0 : index
    %swap3A_288 = vector.load %arg5[%swap3A_285, %swap3A_286, %swap3A_287] : memref<16x256x128xf32, #tpu.memory_space<vmem>>, vector<1x256x128xf32>
    %swap3A_289 = vector.shape_cast %swap3A_288 : vector<1x256x128xf32> to vector<256x128xf32>
    %swap3A_290 = vector.shape_cast %mul3A_284 : vector<256x128xf32> to vector<1x256x128xf32>
    tpu.vector_store %arg5[%swap3A_285, %swap3A_286, %swap3A_287], %swap3A_290 {strides = array<i32>} : memref<16x256x128xf32, #tpu.memory_space<vmem>>, vector<1x256x128xf32>,
    %broadcast_in_dim3A_291 = arith.constant 0.000000e+00 : f32
    %broadcast_in_dim3A_292 = vector.broadcast %broadcast_in_dim3A_291 : f32 to vector<256x128xf32>
    %swap3A_293 = arith.constant 9 : index
    %swap3A_294 = arith.constant 0 : index
    %swap3A_295 = arith.constant 0 : index
    %swap3A_296 = vector.load %arg5[%swap3A_293, %swap3A_294, %swap3A_295] : memref<16x256x128xf32, #tpu.memory_space<vmem>>, vector<1x256x128xf32>
    %swap3A_297 = vector.shape_cast %swap3A_296 : vector<1x256x128xf32> to vector<256x128xf32>
    %swap3A_298 = vector.shape_cast %broadcast_in_dim3A_292 : vector<256x128xf32> to vector<1x256x128xf32>
    tpu.vector_store %arg5[%swap3A_293, %swap3A_294, %swap3A_295], %swap3A_298 {strides = array<i32>} : memref<16x256x128xf32, #tpu.memory_space<vmem>>, vector<1x256x128xf32>,
    %swap3A_299 = arith.constant 10 : index
    %swap3A_300 = arith.constant 0 : index
    %swap3A_301 = arith.constant 0 : index
    %swap3A_302 = vector.load %arg5[%swap3A_299, %swap3A_300, %swap3A_301] : memref<16x256x128xf32, #tpu.memory_space<vmem>>, vector<1x256x128xf32>
    %swap3A_303 = vector.shape_cast %swap3A_302 : vector<1x256x128xf32> to vector<256x128xf32>
    %swap3A_304 = vector.shape_cast %broadcast_in_dim3A_292 : vector<256x128xf32> to vector<1x256x128xf32>
    tpu.vector_store %arg5[%swap3A_299, %swap3A_300, %swap3A_301], %swap3A_304 {strides = array<i32>} : memref<16x256x128xf32, #tpu.memory_space<vmem>>, vector<1x256x128xf32>,
    %swap3A_305 = arith.constant 11 : index
    %swap3A_306 = arith.constant 0 : index
    %swap3A_307 = arith.constant 0 : index
    %swap3A_308 = vector.load %arg5[%swap3A_305, %swap3A_306, %swap3A_307] : memref<16x256x128xf32, #tpu.memory_space<vmem>>, vector<1x256x128xf32>
    %swap3A_309 = vector.shape_cast %swap3A_308 : vector<1x256x128xf32> to vector<256x128xf32>
    %swap3A_310 = vector.shape_cast %broadcast_in_dim3A_292 : vector<256x128xf32> to vector<1x256x128xf32>
    tpu.vector_store %arg5[%swap3A_305, %swap3A_306, %swap3A_307], %swap3A_310 {strides = array<i32>} : memref<16x256x128xf32, #tpu.memory_space<vmem>>, vector<1x256x128xf32>,
    %swap3A_311 = arith.constant 12 : index
    %swap3A_312 = arith.constant 0 : index
    %swap3A_313 = arith.constant 0 : index
    %swap3A_314 = vector.load %arg5[%swap3A_311, %swap3A_312, %swap3A_313] : memref<16x256x128xf32, #tpu.memory_space<vmem>>, vector<1x256x128xf32>
    %swap3A_315 = vector.shape_cast %swap3A_314 : vector<1x256x128xf32> to vector<256x128xf32>
    %swap3A_316 = vector.shape_cast %broadcast_in_dim3A_292 : vector<256x128xf32> to vector<1x256x128xf32>
    tpu.vector_store %arg5[%swap3A_311, %swap3A_312, %swap3A_313], %swap3A_316 {strides = array<i32>} : memref<16x256x128xf32, #tpu.memory_space<vmem>>, vector<1x256x128xf32>,
    %swap3A_317 = arith.constant 13 : index
    %swap3A_318 = arith.constant 0 : index
    %swap3A_319 = arith.constant 0 : index
    %swap3A_320 = vector.load %arg5[%swap3A_317, %swap3A_318, %swap3A_319] : memref<16x256x128xf32, #tpu.memory_space<vmem>>, vector<1x256x128xf32>
    %swap3A_321 = vector.shape_cast %swap3A_320 : vector<1x256x128xf32> to vector<256x128xf32>
    %swap3A_322 = vector.shape_cast %broadcast_in_dim3A_292 : vector<256x128xf32> to vector<1x256x128xf32>
    tpu.vector_store %arg5[%swap3A_317, %swap3A_318, %swap3A_319], %swap3A_322 {strides = array<i32>} : memref<16x256x128xf32, #tpu.memory_space<vmem>>, vector<1x256x128xf32>,
    %swap3A_323 = arith.constant 14 : index
    %swap3A_324 = arith.constant 0 : index
    %swap3A_325 = arith.constant 0 : index
    %swap3A_326 = vector.load %arg5[%swap3A_323, %swap3A_324, %swap3A_325] : memref<16x256x128xf32, #tpu.memory_space<vmem>>, vector<1x256x128xf32>
    %swap3A_327 = vector.shape_cast %swap3A_326 : vector<1x256x128xf32> to vector<256x128xf32>
    %swap3A_328 = vector.shape_cast %broadcast_in_dim3A_292 : vector<256x128xf32> to vector<1x256x128xf32>
    tpu.vector_store %arg5[%swap3A_323, %swap3A_324, %swap3A_325], %swap3A_328 {strides = array<i32>} : memref<16x256x128xf32, #tpu.memory_space<vmem>>, vector<1x256x128xf32>,
    %swap3A_329 = arith.constant 15 : index
    %swap3A_330 = arith.constant 0 : index
    %swap3A_331 = arith.constant 0 : index
    %swap3A_332 = vector.load %arg5[%swap3A_329, %swap3A_330, %swap3A_331] : memref<16x256x128xf32, #tpu.memory_space<vmem>>, vector<1x256x128xf32>
    %swap3A_333 = vector.shape_cast %swap3A_332 : vector<1x256x128xf32> to vector<256x128xf32>
    %swap3A_334 = vector.shape_cast %broadcast_in_dim3A_292 : vector<256x128xf32> to vector<1x256x128xf32>
    tpu.vector_store %arg5[%swap3A_329, %swap3A_330, %swap3A_331], %swap3A_334 {strides = array<i32>} : memref<16x256x128xf32, #tpu.memory_space<vmem>>, vector<1x256x128xf32>,
    return
  }
  func.func @transform_0(%arg0: i32) -> (i32, i32) {
    %c0_i32 = arith.constant 0 : i32
    %c0_i32_0 = arith.constant 0 : i32
    return %arg0, %c0_i32 : i32, i32
  }
  func.func @transform_1(%arg0: i32) -> (i32, i32) {
    %c0_i32 = arith.constant 0 : i32
    %c0_i32_0 = arith.constant 0 : i32
    return %arg0, %c0_i32 : i32, i32
  }
  func.func @transform_2(%arg0: i32) -> (i32, i32) {
    %c0_i32 = arith.constant 0 : i32
    %c0_i32_0 = arith.constant 0 : i32
    return %arg0, %c0_i32 : i32, i32
  }
  func.func @transform_3(%arg0: i32) -> (i32, i32) {
    %c0_i32 = arith.constant 0 : i32
    %c0_i32_0 = arith.constant 0 : i32
    return %arg0, %c0_i32 : i32, i32
  }
  func.func @transform_4(%arg0: i32) -> (i32, i32, i32) {
    %c0_i32 = arith.constant 0 : i32
    %c0_i32_0 = arith.constant 0 : i32
    %c0_i32_1 = arith.constant 0 : i32
    return %c0_i32, %arg0, %c0_i32_0 : i32, i32, i32
  }
  func.func @transform_5(%arg0: i32) -> (i32, i32, i32) {
    %c0_i32 = arith.constant 0 : i32
    %c0_i32_0 = arith.constant 0 : i32
    %c0_i32_1 = arith.constant 0 : i32
    return %c0_i32, %arg0, %c0_i32_0 : i32, i32, i32
  }
}

module attributes {stable_mosaic.version = 14 : i64} {
  func.func @_dij_kernel(%arg0: i32, %arg1: memref<2000x16xf32, #tpu.memory_space<vmem>>, %arg2: memref<2000x1xf32, #tpu.memory_space<vmem>>, %arg3: memref<16x16xf32, #tpu.memory_space<vmem>>, %arg4: memref<1x16xf32, #tpu.memory_space<vmem>>, %arg5: memref<2000x16xf32, #tpu.memory_space<vmem>>) attributes {dimension_semantics = [#tpu.dimension_semantics<arbitrary>], iteration_bounds = array<i64: 160>, scalar_prefetch = 0 : i64, scratch_operands = 0 : i64, tpu.core_type = #tpu.core_type<tc>, window_params = [{transform_indices = @transform_0, window_bounds = array<i64: 2000, 16>}, {transform_indices = @transform_1, window_bounds = array<i64: 2000, 1>}, {pipeline_mode = #tpu.pipeline_mode<synchronous>, transform_indices = @transform_2, window_bounds = array<i64: 16, 16>}, {pipeline_mode = #tpu.pipeline_mode<synchronous>, transform_indices = @transform_3, window_bounds = array<i64: 1, 16>}, {transform_indices = @transform_4, window_bounds = array<i64: 2000, 16>}]} {
    %get3A = arith.constant 0 : index
    %get3A_0 = arith.constant 0 : index
    %get3A_1 = vector.load %arg2[%get3A, %get3A_0] : memref<2000x1xf32, #tpu.memory_space<vmem>>, vector<2000x1xf32>
    %get3A_2 = arith.constant 0 : index
    %get3A_3 = arith.constant 0 : index
    %get3A_4 = vector.load %arg1[%get3A_2, %get3A_3] : memref<2000x16xf32, #tpu.memory_space<vmem>>, vector<2000x16xf32>
    %get3A_5 = arith.constant 0 : index
    %get3A_6 = arith.constant 0 : index
    %get3A_7 = vector.load %arg3[%get3A_5, %get3A_6] : memref<16x16xf32, #tpu.memory_space<vmem>>, vector<16x16xf32>
    %dot_general3A = arith.constant dense<0.000000e+00> : vector<2000x16xf32>
    %dot_general3A_8 = tpu.matmul %get3A_4, %get3A_7, %dot_general3A {dimension_numbers = #tpu.dot_dimension_numbers<[1], [0], [0], [1], [0, 0, 1, 1], [], []>, transpose_lhs_hint = false} : vector<2000x16xf32>, vector<16x16xf32>, vector<2000x16xf32> -> vector<2000x16xf32>
    %get3A_9 = arith.constant 0 : index
    %get3A_10 = arith.constant 0 : index
    %get3A_11 = vector.load %arg4[%get3A_9, %get3A_10] : memref<1x16xf32, #tpu.memory_space<vmem>>, vector<1x16xf32>
    %add3A = vector.broadcast %get3A_11 : vector<1x16xf32> to vector<2000x16xf32>
    %add3A_12 = arith.addf %dot_general3A_8, %add3A : vector<2000x16xf32>
    %mul3A = vector.broadcast %get3A_1 : vector<2000x1xf32> to vector<2000x16xf32>
    %mul3A_13 = arith.mulf %add3A_12, %mul3A : vector<2000x16xf32>
    %swap3A = arith.constant 0 : index
    %swap3A_14 = arith.constant 0 : index
    %swap3A_15 = vector.load %arg5[%swap3A, %swap3A_14] : memref<2000x16xf32, #tpu.memory_space<vmem>>, vector<2000x16xf32>
    tpu.vector_store %arg5[%swap3A, %swap3A_14], %mul3A_13 {strides = array<i32>} : memref<2000x16xf32, #tpu.memory_space<vmem>>, vector<2000x16xf32>,
    return
  }
  func.func @transform_0(%arg0: i32) -> (i32, i32) {
    %c0_i32 = arith.constant 0 : i32
    %c0_i32_0 = arith.constant 0 : i32
    return %arg0, %c0_i32 : i32, i32
  }
  func.func @transform_1(%arg0: i32) -> (i32, i32) {
    %c0_i32 = arith.constant 0 : i32
    %c0_i32_0 = arith.constant 0 : i32
    return %arg0, %c0_i32 : i32, i32
  }
  func.func @transform_2(%arg0: i32) -> (i32, i32) {
    %c0_i32 = arith.constant 0 : i32
    %c0_i32_0 = arith.constant 0 : i32
    %c0_i32_1 = arith.constant 0 : i32
    return %c0_i32, %c0_i32_0 : i32, i32
  }
  func.func @transform_3(%arg0: i32) -> (i32, i32) {
    %c0_i32 = arith.constant 0 : i32
    %c0_i32_0 = arith.constant 0 : i32
    %c0_i32_1 = arith.constant 0 : i32
    return %c0_i32, %c0_i32_0 : i32, i32
  }
  func.func @transform_4(%arg0: i32) -> (i32, i32) {
    %c0_i32 = arith.constant 0 : i32
    %c0_i32_0 = arith.constant 0 : i32
    return %arg0, %c0_i32 : i32, i32
  }
}

module attributes {stable_mosaic.version = 14 : i64} {
  func.func @_node_kernel(%arg0: i32, %arg1: memref<1000x1xi32, #tpu.memory_space<vmem>>, %arg2: memref<128x16xf32, #tpu.memory_space<vmem>>, %arg3: memref<16x128xf32, #tpu.memory_space<vmem>>, %arg4: memref<1x128xf32, #tpu.memory_space<vmem>>, %arg5: memref<128x32xf32, #tpu.memory_space<vmem>>, %arg6: memref<1x32xf32, #tpu.memory_space<vmem>>, %arg7: memref<1000x128xf32, #tpu.memory_space<vmem>>, %arg8: memref<1000x16xf32, #tpu.memory_space<vmem>>, %arg9: memref<1000x16xf32, #tpu.memory_space<vmem>>) attributes {dimension_semantics = [#tpu.dimension_semantics<arbitrary>], iteration_bounds = array<i64: 10>, scalar_prefetch = 0 : i64, scratch_operands = 0 : i64, tpu.core_type = #tpu.core_type<tc>, window_params = [{transform_indices = @transform_0, window_bounds = array<i64: 1000, 1>}, {pipeline_mode = #tpu.pipeline_mode<synchronous>, transform_indices = @transform_1, window_bounds = array<i64: 128, 16>}, {pipeline_mode = #tpu.pipeline_mode<synchronous>, transform_indices = @transform_2, window_bounds = array<i64: 16, 128>}, {pipeline_mode = #tpu.pipeline_mode<synchronous>, transform_indices = @transform_3, window_bounds = array<i64: 1, 128>}, {pipeline_mode = #tpu.pipeline_mode<synchronous>, transform_indices = @transform_4, window_bounds = array<i64: 128, 32>}, {pipeline_mode = #tpu.pipeline_mode<synchronous>, transform_indices = @transform_5, window_bounds = array<i64: 1, 32>}, {transform_indices = @transform_6, window_bounds = array<i64: 1000, 128>}, {transform_indices = @transform_7, window_bounds = array<i64: 1000, 16>}, {transform_indices = @transform_8, window_bounds = array<i64: 1000, 16>}]} {
    %get3A = arith.constant 0 : index
    %get3A_0 = arith.constant 0 : index
    %get3A_1 = vector.load %arg1[%get3A, %get3A_0] : memref<1000x1xi32, #tpu.memory_space<vmem>>, vector<1000x1xi32>
    %iota3A = tpu.iota {dimensions = array<i32: 1>} : vector<1000x128xi32>
    %eq3A = vector.broadcast %get3A_1 : vector<1000x1xi32> to vector<1000x128xi32>
    %eq3A_2 = arith.cmpi eq, %eq3A, %iota3A : vector<1000x128xi32>
    %convert_element_type3A = arith.extui %eq3A_2 : vector<1000x128xi1> to vector<1000x128xi32>
    %convert_element_type3A_3 = arith.sitofp %convert_element_type3A : vector<1000x128xi32> to vector<1000x128xf32>
    %get3A_4 = arith.constant 0 : index
    %get3A_5 = arith.constant 0 : index
    %get3A_6 = vector.load %arg2[%get3A_4, %get3A_5] : memref<128x16xf32, #tpu.memory_space<vmem>>, vector<128x16xf32>
    %dot_general3A = arith.constant dense<0.000000e+00> : vector<1000x16xf32>
    %dot_general3A_7 = tpu.matmul %convert_element_type3A_3, %get3A_6, %dot_general3A {dimension_numbers = #tpu.dot_dimension_numbers<[1], [0], [0], [1], [0, 0, 1, 1], [], []>, transpose_lhs_hint = false} : vector<1000x128xf32>, vector<128x16xf32>, vector<1000x16xf32> -> vector<1000x16xf32>
    %get3A_8 = arith.constant 0 : index
    %get3A_9 = arith.constant 0 : index
    %get3A_10 = vector.load %arg3[%get3A_8, %get3A_9] : memref<16x128xf32, #tpu.memory_space<vmem>>, vector<16x128xf32>
    %dot_general3A_11 = arith.constant dense<0.000000e+00> : vector<1000x128xf32>
    %dot_general3A_12 = tpu.matmul %dot_general3A_7, %get3A_10, %dot_general3A_11 {dimension_numbers = #tpu.dot_dimension_numbers<[1], [0], [0], [1], [0, 0, 1, 1], [], []>, transpose_lhs_hint = false} : vector<1000x16xf32>, vector<16x128xf32>, vector<1000x128xf32> -> vector<1000x128xf32>
    %get3A_13 = arith.constant 0 : index
    %get3A_14 = arith.constant 0 : index
    %get3A_15 = vector.load %arg4[%get3A_13, %get3A_14] : memref<1x128xf32, #tpu.memory_space<vmem>>, vector<1x128xf32>
    %add3A = vector.broadcast %get3A_15 : vector<1x128xf32> to vector<1000x128xf32>
    %add3A_16 = arith.addf %dot_general3A_12, %add3A : vector<1000x128xf32>
    %get3A_17 = arith.constant 0 : index
    %get3A_18 = arith.constant 0 : index
    %get3A_19 = vector.load %arg5[%get3A_17, %get3A_18] : memref<128x32xf32, #tpu.memory_space<vmem>>, vector<128x32xf32>
    %dot_general3A_20 = arith.constant dense<0.000000e+00> : vector<1000x32xf32>
    %dot_general3A_21 = tpu.matmul %add3A_16, %get3A_19, %dot_general3A_20 {dimension_numbers = #tpu.dot_dimension_numbers<[1], [0], [0], [1], [0, 0, 1, 1], [], []>, transpose_lhs_hint = false} : vector<1000x128xf32>, vector<128x32xf32>, vector<1000x32xf32> -> vector<1000x32xf32>
    %get3A_22 = arith.constant 0 : index
    %get3A_23 = arith.constant 0 : index
    %get3A_24 = vector.load %arg6[%get3A_22, %get3A_23] : memref<1x32xf32, #tpu.memory_space<vmem>>, vector<1x32xf32>
    %add3A_25 = vector.broadcast %get3A_24 : vector<1x32xf32> to vector<1000x32xf32>
    %add3A_26 = arith.addf %dot_general3A_21, %add3A_25 : vector<1000x32xf32>
    %swap3A = arith.constant 0 : index
    %swap3A_27 = arith.constant 0 : index
    %swap3A_28 = vector.load %arg7[%swap3A, %swap3A_27] : memref<1000x128xf32, #tpu.memory_space<vmem>>, vector<1000x128xf32>
    tpu.vector_store %arg7[%swap3A, %swap3A_27], %add3A_16 {strides = array<i32>} : memref<1000x128xf32, #tpu.memory_space<vmem>>, vector<1000x128xf32>,
    %slice3A = vector.extract_strided_slice %add3A_26 {offsets = [0, 0], sizes = [1000, 16], strides = [1, 1]} : vector<1000x32xf32> to vector<1000x16xf32>
    %swap3A_29 = arith.constant 0 : index
    %swap3A_30 = arith.constant 0 : index
    %swap3A_31 = vector.load %arg8[%swap3A_29, %swap3A_30] : memref<1000x16xf32, #tpu.memory_space<vmem>>, vector<1000x16xf32>
    tpu.vector_store %arg8[%swap3A_29, %swap3A_30], %slice3A {strides = array<i32>} : memref<1000x16xf32, #tpu.memory_space<vmem>>, vector<1000x16xf32>,
    %slice3A_32 = vector.extract_strided_slice %add3A_26 {offsets = [0, 16], sizes = [1000, 16], strides = [1, 1]} : vector<1000x32xf32> to vector<1000x16xf32>
    %swap3A_33 = arith.constant 0 : index
    %swap3A_34 = arith.constant 0 : index
    %swap3A_35 = vector.load %arg9[%swap3A_33, %swap3A_34] : memref<1000x16xf32, #tpu.memory_space<vmem>>, vector<1000x16xf32>
    tpu.vector_store %arg9[%swap3A_33, %swap3A_34], %slice3A_32 {strides = array<i32>} : memref<1000x16xf32, #tpu.memory_space<vmem>>, vector<1000x16xf32>,
    return
  }
  func.func @transform_0(%arg0: i32) -> (i32, i32) {
    %c0_i32 = arith.constant 0 : i32
    %c0_i32_0 = arith.constant 0 : i32
    return %arg0, %c0_i32 : i32, i32
  }
  func.func @transform_1(%arg0: i32) -> (i32, i32) {
    %c0_i32 = arith.constant 0 : i32
    %c0_i32_0 = arith.constant 0 : i32
    %c0_i32_1 = arith.constant 0 : i32
    return %c0_i32, %c0_i32_0 : i32, i32
  }
  func.func @transform_2(%arg0: i32) -> (i32, i32) {
    %c0_i32 = arith.constant 0 : i32
    %c0_i32_0 = arith.constant 0 : i32
    %c0_i32_1 = arith.constant 0 : i32
    return %c0_i32, %c0_i32_0 : i32, i32
  }
  func.func @transform_3(%arg0: i32) -> (i32, i32) {
    %c0_i32 = arith.constant 0 : i32
    %c0_i32_0 = arith.constant 0 : i32
    %c0_i32_1 = arith.constant 0 : i32
    return %c0_i32, %c0_i32_0 : i32, i32
  }
  func.func @transform_4(%arg0: i32) -> (i32, i32) {
    %c0_i32 = arith.constant 0 : i32
    %c0_i32_0 = arith.constant 0 : i32
    %c0_i32_1 = arith.constant 0 : i32
    return %c0_i32, %c0_i32_0 : i32, i32
  }
  func.func @transform_5(%arg0: i32) -> (i32, i32) {
    %c0_i32 = arith.constant 0 : i32
    %c0_i32_0 = arith.constant 0 : i32
    %c0_i32_1 = arith.constant 0 : i32
    return %c0_i32, %c0_i32_0 : i32, i32
  }
  func.func @transform_6(%arg0: i32) -> (i32, i32) {
    %c0_i32 = arith.constant 0 : i32
    %c0_i32_0 = arith.constant 0 : i32
    return %arg0, %c0_i32 : i32, i32
  }
  func.func @transform_7(%arg0: i32) -> (i32, i32) {
    %c0_i32 = arith.constant 0 : i32
    %c0_i32_0 = arith.constant 0 : i32
    return %arg0, %c0_i32 : i32, i32
  }
  func.func @transform_8(%arg0: i32) -> (i32, i32) {
    %c0_i32 = arith.constant 0 : i32
    %c0_i32_0 = arith.constant 0 : i32
    return %arg0, %c0_i32 : i32, i32
  }
}

module attributes {stable_mosaic.version = 14 : i64} {
  func.func @_layers_kernel(%arg0: i32, %arg1: memref<1x1000x80xf32, #tpu.memory_space<vmem>>, %arg2: memref<1x1000x80xf32, #tpu.memory_space<vmem>>, %arg3: memref<1000x128xf32, #tpu.memory_space<vmem>>, %arg4: memref<1000x16xf32, #tpu.memory_space<vmem>>, %arg5: memref<1x144xf32, #tpu.memory_space<vmem>>, %arg6: memref<144x144xf32, #tpu.memory_space<vmem>>, %arg7: memref<3x144x144xf32, #tpu.memory_space<vmem>>, %arg8: memref<3x9x144x144xf32, #tpu.memory_space<vmem>>, %arg9: memref<3x144x128xf32, #tpu.memory_space<vmem>>, %arg10: memref<3x1x128xf32, #tpu.memory_space<vmem>>, %arg11: memref<3x128x128xf32, #tpu.memory_space<vmem>>, %arg12: memref<3x1x128xf32, #tpu.memory_space<vmem>>, %arg13: memref<3x144x144xf32, #tpu.memory_space<vmem>>, %arg14: memref<1000x128xf32, #tpu.memory_space<vmem>>, %arg15: memref<1000x144xf32, #tpu.memory_space<vmem>>) attributes {dimension_semantics = [#tpu.dimension_semantics<arbitrary>], iteration_bounds = array<i64: 10>, scalar_prefetch = 0 : i64, scratch_operands = 0 : i64, tpu.core_type = #tpu.core_type<tc>, window_params = [{transform_indices = @transform_0, window_bounds = array<i64: 1, 1000, 80>}, {transform_indices = @transform_1, window_bounds = array<i64: 1, 1000, 80>}, {transform_indices = @transform_2, window_bounds = array<i64: 1000, 128>}, {transform_indices = @transform_3, window_bounds = array<i64: 1000, 16>}, {pipeline_mode = #tpu.pipeline_mode<synchronous>, transform_indices = @transform_4, window_bounds = array<i64: 1, 144>}, {pipeline_mode = #tpu.pipeline_mode<synchronous>, transform_indices = @transform_5, window_bounds = array<i64: 144, 144>}, {pipeline_mode = #tpu.pipeline_mode<synchronous>, transform_indices = @transform_6, window_bounds = array<i64: 3, 144, 144>}, {pipeline_mode = #tpu.pipeline_mode<synchronous>, transform_indices = @transform_7, window_bounds = array<i64: 3, 9, 144, 144>}, {pipeline_mode = #tpu.pipeline_mode<synchronous>, transform_indices = @transform_8, window_bounds = array<i64: 3, 144, 128>}, {pipeline_mode = #tpu.pipeline_mode<synchronous>, transform_indices = @transform_9, window_bounds = array<i64: 3, 1, 128>}, {pipeline_mode = #tpu.pipeline_mode<synchronous>, transform_indices = @transform_10, window_bounds = array<i64: 3, 128, 128>}, {pipeline_mode = #tpu.pipeline_mode<synchronous>, transform_indices = @transform_11, window_bounds = array<i64: 3, 1, 128>}, {pipeline_mode = #tpu.pipeline_mode<synchronous>, transform_indices = @transform_12, window_bounds = array<i64: 3, 144, 144>}, {transform_indices = @transform_13, window_bounds = array<i64: 1000, 128>}, {transform_indices = @transform_14, window_bounds = array<i64: 1000, 144>}]} {
    %get3A = arith.constant 0 : index
    %get3A_0 = arith.constant 0 : index
    %get3A_1 = arith.constant 0 : index
    %get3A_2 = vector.load %arg1[%get3A, %get3A_0, %get3A_1] : memref<1x1000x80xf32, #tpu.memory_space<vmem>>, vector<1x1000x80xf32>
    %get3A_3 = vector.shape_cast %get3A_2 : vector<1x1000x80xf32> to vector<1000x80xf32>
    %slice3A = vector.extract_strided_slice %get3A_3 {offsets = [0, 0], sizes = [1000, 64], strides = [1, 1]} : vector<1000x80xf32> to vector<1000x64xf32>
    %get3A_4 = arith.constant 0 : index
    %get3A_5 = arith.constant 0 : index
    %get3A_6 = arith.constant 0 : index
    %get3A_7 = vector.load %arg2[%get3A_4, %get3A_5, %get3A_6] : memref<1x1000x80xf32, #tpu.memory_space<vmem>>, vector<1x1000x80xf32>
    %get3A_8 = vector.shape_cast %get3A_7 : vector<1x1000x80xf32> to vector<1000x80xf32>
    %concatenate3A = tpu.concatenate %slice3A, %get3A_8 in 1 : vector<1000x64xf32>, vector<1000x80xf32> -> vector<1000x144xf32>
    %get3A_9 = arith.constant 0 : index
    %get3A_10 = arith.constant 0 : index
    %get3A_11 = vector.load %arg4[%get3A_9, %get3A_10] : memref<1000x16xf32, #tpu.memory_space<vmem>>, vector<1000x16xf32>
    %tile3A = tpu.concatenate %get3A_11, %get3A_11, %get3A_11, %get3A_11, %get3A_11, %get3A_11, %get3A_11, %get3A_11, %get3A_11 in 1 : vector<1000x16xf32>, vector<1000x16xf32>, vector<1000x16xf32>, vector<1000x16xf32>, vector<1000x16xf32>, vector<1000x16xf32>, vector<1000x16xf32>, vector<1000x16xf32>, vector<1000x16xf32> -> vector<1000x144xf32>
    %mul3A = arith.mulf %concatenate3A, %tile3A : vector<1000x144xf32>
    %get3A_12 = arith.constant 0 : index
    %get3A_13 = arith.constant 0 : index
    %get3A_14 = vector.load %arg5[%get3A_12, %get3A_13] : memref<1x144xf32, #tpu.memory_space<vmem>>, vector<1x144xf32>
    %mul3A_15 = vector.broadcast %get3A_14 : vector<1x144xf32> to vector<1000x144xf32>
    %mul3A_16 = arith.mulf %mul3A, %mul3A_15 : vector<1000x144xf32>
    %get3A_17 = arith.constant 0 : index
    %get3A_18 = arith.constant 0 : index
    %get3A_19 = vector.load %arg6[%get3A_17, %get3A_18] : memref<144x144xf32, #tpu.memory_space<vmem>>, vector<144x144xf32>
    %dot_general3A = arith.constant dense<0.000000e+00> : vector<1000x144xf32>
    %dot_general3A_20 = tpu.matmul %mul3A_16, %get3A_19, %dot_general3A {dimension_numbers = #tpu.dot_dimension_numbers<[1], [0], [0], [1], [0, 0, 1, 1], [], []>, transpose_lhs_hint = false} : vector<1000x144xf32>, vector<144x144xf32>, vector<1000x144xf32> -> vector<1000x144xf32>
    %get3A_21 = arith.constant 0 : index
    %get3A_22 = arith.constant 0 : index
    %get3A_23 = vector.load %arg3[%get3A_21, %get3A_22] : memref<1000x128xf32, #tpu.memory_space<vmem>>, vector<1000x128xf32>
    %get3A_24 = arith.constant 0 : index
    %get3A_25 = arith.constant 0 : index
    %get3A_26 = arith.constant 0 : index
    %get3A_27 = vector.load %arg7[%get3A_24, %get3A_25, %get3A_26] : memref<3x144x144xf32, #tpu.memory_space<vmem>>, vector<1x144x144xf32>
    %get3A_28 = vector.shape_cast %get3A_27 : vector<1x144x144xf32> to vector<144x144xf32>
    %dot_general3A_29 = arith.constant dense<0.000000e+00> : vector<1000x144xf32>
    %dot_general3A_30 = tpu.matmul %mul3A_16, %get3A_28, %dot_general3A_29 {dimension_numbers = #tpu.dot_dimension_numbers<[1], [0], [0], [1], [0, 0, 1, 1], [], []>, transpose_lhs_hint = false} : vector<1000x144xf32>, vector<144x144xf32>, vector<1000x144xf32> -> vector<1000x144xf32>
    %broadcast_in_dim3A = arith.constant 0.000000e+00 : f32
    %broadcast_in_dim3A_31 = vector.broadcast %broadcast_in_dim3A : f32 to vector<1000x144xf32>
    %slice3A_32 = vector.extract_strided_slice %dot_general3A_20 {offsets = [0, 0], sizes = [1000, 16], strides = [1, 1]} : vector<1000x144xf32> to vector<1000x16xf32>
    %tile3A_33 = tpu.concatenate %slice3A_32, %slice3A_32, %slice3A_32, %slice3A_32, %slice3A_32, %slice3A_32, %slice3A_32, %slice3A_32, %slice3A_32 in 1 : vector<1000x16xf32>, vector<1000x16xf32>, vector<1000x16xf32>, vector<1000x16xf32>, vector<1000x16xf32>, vector<1000x16xf32>, vector<1000x16xf32>, vector<1000x16xf32>, vector<1000x16xf32> -> vector<1000x144xf32>
    %get3A_34 = arith.constant 0 : index
    %get3A_35 = arith.constant 0 : index
    %get3A_36 = arith.constant 0 : index
    %get3A_37 = arith.constant 0 : index
    %get3A_38 = vector.load %arg8[%get3A_34, %get3A_35, %get3A_36, %get3A_37] : memref<3x9x144x144xf32, #tpu.memory_space<vmem>>, vector<1x1x144x144xf32>
    %get3A_39 = vector.shape_cast %get3A_38 : vector<1x1x144x144xf32> to vector<144x144xf32>
    %dot_general3A_40 = arith.constant dense<0.000000e+00> : vector<1000x144xf32>
    %dot_general3A_41 = tpu.matmul %dot_general3A_30, %get3A_39, %dot_general3A_40 {dimension_numbers = #tpu.dot_dimension_numbers<[1], [0], [0], [1], [0, 0, 1, 1], [], []>, transpose_lhs_hint = false} : vector<1000x144xf32>, vector<144x144xf32>, vector<1000x144xf32> -> vector<1000x144xf32>
    %mul3A_42 = arith.mulf %tile3A_33, %dot_general3A_41 : vector<1000x144xf32>
    %add3A = arith.addf %broadcast_in_dim3A_31, %mul3A_42 : vector<1000x144xf32>
    %slice3A_43 = vector.extract_strided_slice %dot_general3A_20 {offsets = [0, 16], sizes = [1000, 16], strides = [1, 1]} : vector<1000x144xf32> to vector<1000x16xf32>
    %tile3A_44 = tpu.concatenate %slice3A_43, %slice3A_43, %slice3A_43, %slice3A_43, %slice3A_43, %slice3A_43, %slice3A_43, %slice3A_43, %slice3A_43 in 1 : vector<1000x16xf32>, vector<1000x16xf32>, vector<1000x16xf32>, vector<1000x16xf32>, vector<1000x16xf32>, vector<1000x16xf32>, vector<1000x16xf32>, vector<1000x16xf32>, vector<1000x16xf32> -> vector<1000x144xf32>
    %get3A_45 = arith.constant 0 : index
    %get3A_46 = arith.constant 1 : index
    %get3A_47 = arith.constant 0 : index
    %get3A_48 = arith.constant 0 : index
    %get3A_49 = vector.load %arg8[%get3A_45, %get3A_46, %get3A_47, %get3A_48] : memref<3x9x144x144xf32, #tpu.memory_space<vmem>>, vector<1x1x144x144xf32>
    %get3A_50 = vector.shape_cast %get3A_49 : vector<1x1x144x144xf32> to vector<144x144xf32>
    %dot_general3A_51 = arith.constant dense<0.000000e+00> : vector<1000x144xf32>
    %dot_general3A_52 = tpu.matmul %dot_general3A_30, %get3A_50, %dot_general3A_51 {dimension_numbers = #tpu.dot_dimension_numbers<[1], [0], [0], [1], [0, 0, 1, 1], [], []>, transpose_lhs_hint = false} : vector<1000x144xf32>, vector<144x144xf32>, vector<1000x144xf32> -> vector<1000x144xf32>
    %mul3A_53 = arith.mulf %tile3A_44, %dot_general3A_52 : vector<1000x144xf32>
    %add3A_54 = arith.addf %add3A, %mul3A_53 : vector<1000x144xf32>
    %slice3A_55 = vector.extract_strided_slice %dot_general3A_20 {offsets = [0, 32], sizes = [1000, 16], strides = [1, 1]} : vector<1000x144xf32> to vector<1000x16xf32>
    %tile3A_56 = tpu.concatenate %slice3A_55, %slice3A_55, %slice3A_55, %slice3A_55, %slice3A_55, %slice3A_55, %slice3A_55, %slice3A_55, %slice3A_55 in 1 : vector<1000x16xf32>, vector<1000x16xf32>, vector<1000x16xf32>, vector<1000x16xf32>, vector<1000x16xf32>, vector<1000x16xf32>, vector<1000x16xf32>, vector<1000x16xf32>, vector<1000x16xf32> -> vector<1000x144xf32>
    %get3A_57 = arith.constant 0 : index
    %get3A_58 = arith.constant 2 : index
    %get3A_59 = arith.constant 0 : index
    %get3A_60 = arith.constant 0 : index
    %get3A_61 = vector.load %arg8[%get3A_57, %get3A_58, %get3A_59, %get3A_60] : memref<3x9x144x144xf32, #tpu.memory_space<vmem>>, vector<1x1x144x144xf32>
    %get3A_62 = vector.shape_cast %get3A_61 : vector<1x1x144x144xf32> to vector<144x144xf32>
    %dot_general3A_63 = arith.constant dense<0.000000e+00> : vector<1000x144xf32>
    %dot_general3A_64 = tpu.matmul %dot_general3A_30, %get3A_62, %dot_general3A_63 {dimension_numbers = #tpu.dot_dimension_numbers<[1], [0], [0], [1], [0, 0, 1, 1], [], []>, transpose_lhs_hint = false} : vector<1000x144xf32>, vector<144x144xf32>, vector<1000x144xf32> -> vector<1000x144xf32>
    %mul3A_65 = arith.mulf %tile3A_56, %dot_general3A_64 : vector<1000x144xf32>
    %add3A_66 = arith.addf %add3A_54, %mul3A_65 : vector<1000x144xf32>
    %slice3A_67 = vector.extract_strided_slice %dot_general3A_20 {offsets = [0, 48], sizes = [1000, 16], strides = [1, 1]} : vector<1000x144xf32> to vector<1000x16xf32>
    %tile3A_68 = tpu.concatenate %slice3A_67, %slice3A_67, %slice3A_67, %slice3A_67, %slice3A_67, %slice3A_67, %slice3A_67, %slice3A_67, %slice3A_67 in 1 : vector<1000x16xf32>, vector<1000x16xf32>, vector<1000x16xf32>, vector<1000x16xf32>, vector<1000x16xf32>, vector<1000x16xf32>, vector<1000x16xf32>, vector<1000x16xf32>, vector<1000x16xf32> -> vector<1000x144xf32>
    %get3A_69 = arith.constant 0 : index
    %get3A_70 = arith.constant 3 : index
    %get3A_71 = arith.constant 0 : index
    %get3A_72 = arith.constant 0 : index
    %get3A_73 = vector.load %arg8[%get3A_69, %get3A_70, %get3A_71, %get3A_72] : memref<3x9x144x144xf32, #tpu.memory_space<vmem>>, vector<1x1x144x144xf32>
    %get3A_74 = vector.shape_cast %get3A_73 : vector<1x1x144x144xf32> to vector<144x144xf32>
    %dot_general3A_75 = arith.constant dense<0.000000e+00> : vector<1000x144xf32>
    %dot_general3A_76 = tpu.matmul %dot_general3A_30, %get3A_74, %dot_general3A_75 {dimension_numbers = #tpu.dot_dimension_numbers<[1], [0], [0], [1], [0, 0, 1, 1], [], []>, transpose_lhs_hint = false} : vector<1000x144xf32>, vector<144x144xf32>, vector<1000x144xf32> -> vector<1000x144xf32>
    %mul3A_77 = arith.mulf %tile3A_68, %dot_general3A_76 : vector<1000x144xf32>
    %add3A_78 = arith.addf %add3A_66, %mul3A_77 : vector<1000x144xf32>
    %slice3A_79 = vector.extract_strided_slice %dot_general3A_20 {offsets = [0, 64], sizes = [1000, 16], strides = [1, 1]} : vector<1000x144xf32> to vector<1000x16xf32>
    %tile3A_80 = tpu.concatenate %slice3A_79, %slice3A_79, %slice3A_79, %slice3A_79, %slice3A_79, %slice3A_79, %slice3A_79, %slice3A_79, %slice3A_79 in 1 : vector<1000x16xf32>, vector<1000x16xf32>, vector<1000x16xf32>, vector<1000x16xf32>, vector<1000x16xf32>, vector<1000x16xf32>, vector<1000x16xf32>, vector<1000x16xf32>, vector<1000x16xf32> -> vector<1000x144xf32>
    %get3A_81 = arith.constant 0 : index
    %get3A_82 = arith.constant 4 : index
    %get3A_83 = arith.constant 0 : index
    %get3A_84 = arith.constant 0 : index
    %get3A_85 = vector.load %arg8[%get3A_81, %get3A_82, %get3A_83, %get3A_84] : memref<3x9x144x144xf32, #tpu.memory_space<vmem>>, vector<1x1x144x144xf32>
    %get3A_86 = vector.shape_cast %get3A_85 : vector<1x1x144x144xf32> to vector<144x144xf32>
    %dot_general3A_87 = arith.constant dense<0.000000e+00> : vector<1000x144xf32>
    %dot_general3A_88 = tpu.matmul %dot_general3A_30, %get3A_86, %dot_general3A_87 {dimension_numbers = #tpu.dot_dimension_numbers<[1], [0], [0], [1], [0, 0, 1, 1], [], []>, transpose_lhs_hint = false} : vector<1000x144xf32>, vector<144x144xf32>, vector<1000x144xf32> -> vector<1000x144xf32>
    %mul3A_89 = arith.mulf %tile3A_80, %dot_general3A_88 : vector<1000x144xf32>
    %add3A_90 = arith.addf %add3A_78, %mul3A_89 : vector<1000x144xf32>
    %slice3A_91 = vector.extract_strided_slice %dot_general3A_20 {offsets = [0, 80], sizes = [1000, 16], strides = [1, 1]} : vector<1000x144xf32> to vector<1000x16xf32>
    %tile3A_92 = tpu.concatenate %slice3A_91, %slice3A_91, %slice3A_91, %slice3A_91, %slice3A_91, %slice3A_91, %slice3A_91, %slice3A_91, %slice3A_91 in 1 : vector<1000x16xf32>, vector<1000x16xf32>, vector<1000x16xf32>, vector<1000x16xf32>, vector<1000x16xf32>, vector<1000x16xf32>, vector<1000x16xf32>, vector<1000x16xf32>, vector<1000x16xf32> -> vector<1000x144xf32>
    %get3A_93 = arith.constant 0 : index
    %get3A_94 = arith.constant 5 : index
    %get3A_95 = arith.constant 0 : index
    %get3A_96 = arith.constant 0 : index
    %get3A_97 = vector.load %arg8[%get3A_93, %get3A_94, %get3A_95, %get3A_96] : memref<3x9x144x144xf32, #tpu.memory_space<vmem>>, vector<1x1x144x144xf32>
    %get3A_98 = vector.shape_cast %get3A_97 : vector<1x1x144x144xf32> to vector<144x144xf32>
    %dot_general3A_99 = arith.constant dense<0.000000e+00> : vector<1000x144xf32>
    %dot_general3A_100 = tpu.matmul %dot_general3A_30, %get3A_98, %dot_general3A_99 {dimension_numbers = #tpu.dot_dimension_numbers<[1], [0], [0], [1], [0, 0, 1, 1], [], []>, transpose_lhs_hint = false} : vector<1000x144xf32>, vector<144x144xf32>, vector<1000x144xf32> -> vector<1000x144xf32>
    %mul3A_101 = arith.mulf %tile3A_92, %dot_general3A_100 : vector<1000x144xf32>
    %add3A_102 = arith.addf %add3A_90, %mul3A_101 : vector<1000x144xf32>
    %slice3A_103 = vector.extract_strided_slice %dot_general3A_20 {offsets = [0, 96], sizes = [1000, 16], strides = [1, 1]} : vector<1000x144xf32> to vector<1000x16xf32>
    %tile3A_104 = tpu.concatenate %slice3A_103, %slice3A_103, %slice3A_103, %slice3A_103, %slice3A_103, %slice3A_103, %slice3A_103, %slice3A_103, %slice3A_103 in 1 : vector<1000x16xf32>, vector<1000x16xf32>, vector<1000x16xf32>, vector<1000x16xf32>, vector<1000x16xf32>, vector<1000x16xf32>, vector<1000x16xf32>, vector<1000x16xf32>, vector<1000x16xf32> -> vector<1000x144xf32>
    %get3A_105 = arith.constant 0 : index
    %get3A_106 = arith.constant 6 : index
    %get3A_107 = arith.constant 0 : index
    %get3A_108 = arith.constant 0 : index
    %get3A_109 = vector.load %arg8[%get3A_105, %get3A_106, %get3A_107, %get3A_108] : memref<3x9x144x144xf32, #tpu.memory_space<vmem>>, vector<1x1x144x144xf32>
    %get3A_110 = vector.shape_cast %get3A_109 : vector<1x1x144x144xf32> to vector<144x144xf32>
    %dot_general3A_111 = arith.constant dense<0.000000e+00> : vector<1000x144xf32>
    %dot_general3A_112 = tpu.matmul %dot_general3A_30, %get3A_110, %dot_general3A_111 {dimension_numbers = #tpu.dot_dimension_numbers<[1], [0], [0], [1], [0, 0, 1, 1], [], []>, transpose_lhs_hint = false} : vector<1000x144xf32>, vector<144x144xf32>, vector<1000x144xf32> -> vector<1000x144xf32>
    %mul3A_113 = arith.mulf %tile3A_104, %dot_general3A_112 : vector<1000x144xf32>
    %add3A_114 = arith.addf %add3A_102, %mul3A_113 : vector<1000x144xf32>
    %slice3A_115 = vector.extract_strided_slice %dot_general3A_20 {offsets = [0, 112], sizes = [1000, 16], strides = [1, 1]} : vector<1000x144xf32> to vector<1000x16xf32>
    %tile3A_116 = tpu.concatenate %slice3A_115, %slice3A_115, %slice3A_115, %slice3A_115, %slice3A_115, %slice3A_115, %slice3A_115, %slice3A_115, %slice3A_115 in 1 : vector<1000x16xf32>, vector<1000x16xf32>, vector<1000x16xf32>, vector<1000x16xf32>, vector<1000x16xf32>, vector<1000x16xf32>, vector<1000x16xf32>, vector<1000x16xf32>, vector<1000x16xf32> -> vector<1000x144xf32>
    %get3A_117 = arith.constant 0 : index
    %get3A_118 = arith.constant 7 : index
    %get3A_119 = arith.constant 0 : index
    %get3A_120 = arith.constant 0 : index
    %get3A_121 = vector.load %arg8[%get3A_117, %get3A_118, %get3A_119, %get3A_120] : memref<3x9x144x144xf32, #tpu.memory_space<vmem>>, vector<1x1x144x144xf32>
    %get3A_122 = vector.shape_cast %get3A_121 : vector<1x1x144x144xf32> to vector<144x144xf32>
    %dot_general3A_123 = arith.constant dense<0.000000e+00> : vector<1000x144xf32>
    %dot_general3A_124 = tpu.matmul %dot_general3A_30, %get3A_122, %dot_general3A_123 {dimension_numbers = #tpu.dot_dimension_numbers<[1], [0], [0], [1], [0, 0, 1, 1], [], []>, transpose_lhs_hint = false} : vector<1000x144xf32>, vector<144x144xf32>, vector<1000x144xf32> -> vector<1000x144xf32>
    %mul3A_125 = arith.mulf %tile3A_116, %dot_general3A_124 : vector<1000x144xf32>
    %add3A_126 = arith.addf %add3A_114, %mul3A_125 : vector<1000x144xf32>
    %slice3A_127 = vector.extract_strided_slice %dot_general3A_20 {offsets = [0, 128], sizes = [1000, 16], strides = [1, 1]} : vector<1000x144xf32> to vector<1000x16xf32>
    %tile3A_128 = tpu.concatenate %slice3A_127, %slice3A_127, %slice3A_127, %slice3A_127, %slice3A_127, %slice3A_127, %slice3A_127, %slice3A_127, %slice3A_127 in 1 : vector<1000x16xf32>, vector<1000x16xf32>, vector<1000x16xf32>, vector<1000x16xf32>, vector<1000x16xf32>, vector<1000x16xf32>, vector<1000x16xf32>, vector<1000x16xf32>, vector<1000x16xf32> -> vector<1000x144xf32>
    %get3A_129 = arith.constant 0 : index
    %get3A_130 = arith.constant 8 : index
    %get3A_131 = arith.constant 0 : index
    %get3A_132 = arith.constant 0 : index
    %get3A_133 = vector.load %arg8[%get3A_129, %get3A_130, %get3A_131, %get3A_132] : memref<3x9x144x144xf32, #tpu.memory_space<vmem>>, vector<1x1x144x144xf32>
    %get3A_134 = vector.shape_cast %get3A_133 : vector<1x1x144x144xf32> to vector<144x144xf32>
    %dot_general3A_135 = arith.constant dense<0.000000e+00> : vector<1000x144xf32>
    %dot_general3A_136 = tpu.matmul %dot_general3A_30, %get3A_134, %dot_general3A_135 {dimension_numbers = #tpu.dot_dimension_numbers<[1], [0], [0], [1], [0, 0, 1, 1], [], []>, transpose_lhs_hint = false} : vector<1000x144xf32>, vector<144x144xf32>, vector<1000x144xf32> -> vector<1000x144xf32>
    %mul3A_137 = arith.mulf %tile3A_128, %dot_general3A_136 : vector<1000x144xf32>
    %add3A_138 = arith.addf %add3A_126, %mul3A_137 : vector<1000x144xf32>
    %slice3A_139 = vector.extract_strided_slice %add3A_138 {offsets = [0, 0], sizes = [1000, 16], strides = [1, 1]} : vector<1000x144xf32> to vector<1000x16xf32>
    %concatenate3A_140 = tpu.concatenate %get3A_23, %slice3A_139 in 1 : vector<1000x128xf32>, vector<1000x16xf32> -> vector<1000x144xf32>
    %get3A_141 = arith.constant 0 : index
    %get3A_142 = arith.constant 0 : index
    %get3A_143 = arith.constant 0 : index
    %get3A_144 = vector.load %arg9[%get3A_141, %get3A_142, %get3A_143] : memref<3x144x128xf32, #tpu.memory_space<vmem>>, vector<1x144x128xf32>
    %get3A_145 = vector.shape_cast %get3A_144 : vector<1x144x128xf32> to vector<144x128xf32>
    %dot_general3A_146 = arith.constant dense<0.000000e+00> : vector<1000x128xf32>
    %dot_general3A_147 = tpu.matmul %concatenate3A_140, %get3A_145, %dot_general3A_146 {dimension_numbers = #tpu.dot_dimension_numbers<[1], [0], [0], [1], [0, 0, 1, 1], [], []>, transpose_lhs_hint = false} : vector<1000x144xf32>, vector<144x128xf32>, vector<1000x128xf32> -> vector<1000x128xf32>
    %get3A_148 = arith.constant 0 : index
    %get3A_149 = arith.constant 0 : index
    %get3A_150 = arith.constant 0 : index
    %get3A_151 = vector.load %arg10[%get3A_148, %get3A_149, %get3A_150] : memref<3x1x128xf32, #tpu.memory_space<vmem>>, vector<1x1x128xf32>
    %get3A_152 = vector.shape_cast %get3A_151 : vector<1x1x128xf32> to vector<1x128xf32>
    %add3A_153 = vector.broadcast %get3A_152 : vector<1x128xf32> to vector<1000x128xf32>
    %add3A_154 = arith.addf %dot_general3A_147, %add3A_153 : vector<1000x128xf32>
    %logistic3A = arith.negf %add3A_154 : vector<1000x128xf32>
    %logistic3A_155 = math.exp %logistic3A : vector<1000x128xf32>
    %logistic3A_156 = arith.constant 1.000000e+00 : f32
    %logistic3A_157 = vector.broadcast %logistic3A_156 : f32 to vector<1000x128xf32>
    %logistic3A_158 = arith.addf %logistic3A_157, %logistic3A_155 : vector<1000x128xf32>
    %logistic3A_159 = arith.divf %logistic3A_157, %logistic3A_158 : vector<1000x128xf32>
    %mul3A_160 = arith.mulf %add3A_154, %logistic3A_159 : vector<1000x128xf32>
    %get3A_161 = arith.constant 0 : index
    %get3A_162 = arith.constant 0 : index
    %get3A_163 = arith.constant 0 : index
    %get3A_164 = vector.load %arg11[%get3A_161, %get3A_162, %get3A_163] : memref<3x128x128xf32, #tpu.memory_space<vmem>>, vector<1x128x128xf32>
    %get3A_165 = vector.shape_cast %get3A_164 : vector<1x128x128xf32> to vector<128x128xf32>
    %dot_general3A_166 = arith.constant dense<0.000000e+00> : vector<1000x128xf32>
    %dot_general3A_167 = tpu.matmul %mul3A_160, %get3A_165, %dot_general3A_166 {dimension_numbers = #tpu.dot_dimension_numbers<[1], [0], [0], [1], [0, 0, 1, 1], [], []>, transpose_lhs_hint = false} : vector<1000x128xf32>, vector<128x128xf32>, vector<1000x128xf32> -> vector<1000x128xf32>
    %add3A_168 = arith.addf %get3A_23, %dot_general3A_167 : vector<1000x128xf32>
    %get3A_169 = arith.constant 0 : index
    %get3A_170 = arith.constant 0 : index
    %get3A_171 = arith.constant 0 : index
    %get3A_172 = vector.load %arg12[%get3A_169, %get3A_170, %get3A_171] : memref<3x1x128xf32, #tpu.memory_space<vmem>>, vector<1x1x128xf32>
    %get3A_173 = vector.shape_cast %get3A_172 : vector<1x1x128xf32> to vector<1x128xf32>
    %add3A_174 = vector.broadcast %get3A_173 : vector<1x128xf32> to vector<1000x128xf32>
    %add3A_175 = arith.addf %add3A_168, %add3A_174 : vector<1000x128xf32>
    %get3A_176 = arith.constant 0 : index
    %get3A_177 = arith.constant 0 : index
    %get3A_178 = arith.constant 0 : index
    %get3A_179 = vector.load %arg13[%get3A_176, %get3A_177, %get3A_178] : memref<3x144x144xf32, #tpu.memory_space<vmem>>, vector<1x144x144xf32>
    %get3A_180 = vector.shape_cast %get3A_179 : vector<1x144x144xf32> to vector<144x144xf32>
    %dot_general3A_181 = arith.constant dense<0.000000e+00> : vector<1000x144xf32>
    %dot_general3A_182 = tpu.matmul %add3A_138, %get3A_180, %dot_general3A_181 {dimension_numbers = #tpu.dot_dimension_numbers<[1], [0], [0], [1], [0, 0, 1, 1], [], []>, transpose_lhs_hint = false} : vector<1000x144xf32>, vector<144x144xf32>, vector<1000x144xf32> -> vector<1000x144xf32>
    %add3A_183 = arith.addf %dot_general3A_20, %dot_general3A_182 : vector<1000x144xf32>
    %get3A_184 = arith.constant 1 : index
    %get3A_185 = arith.constant 0 : index
    %get3A_186 = arith.constant 0 : index
    %get3A_187 = vector.load %arg7[%get3A_184, %get3A_185, %get3A_186] : memref<3x144x144xf32, #tpu.memory_space<vmem>>, vector<1x144x144xf32>
    %get3A_188 = vector.shape_cast %get3A_187 : vector<1x144x144xf32> to vector<144x144xf32>
    %dot_general3A_189 = arith.constant dense<0.000000e+00> : vector<1000x144xf32>
    %dot_general3A_190 = tpu.matmul %mul3A_16, %get3A_188, %dot_general3A_189 {dimension_numbers = #tpu.dot_dimension_numbers<[1], [0], [0], [1], [0, 0, 1, 1], [], []>, transpose_lhs_hint = false} : vector<1000x144xf32>, vector<144x144xf32>, vector<1000x144xf32> -> vector<1000x144xf32>
    %broadcast_in_dim3A_191 = arith.constant 0.000000e+00 : f32
    %broadcast_in_dim3A_192 = vector.broadcast %broadcast_in_dim3A_191 : f32 to vector<1000x144xf32>
    %slice3A_193 = vector.extract_strided_slice %add3A_183 {offsets = [0, 0], sizes = [1000, 16], strides = [1, 1]} : vector<1000x144xf32> to vector<1000x16xf32>
    %tile3A_194 = tpu.concatenate %slice3A_193, %slice3A_193, %slice3A_193, %slice3A_193, %slice3A_193, %slice3A_193, %slice3A_193, %slice3A_193, %slice3A_193 in 1 : vector<1000x16xf32>, vector<1000x16xf32>, vector<1000x16xf32>, vector<1000x16xf32>, vector<1000x16xf32>, vector<1000x16xf32>, vector<1000x16xf32>, vector<1000x16xf32>, vector<1000x16xf32> -> vector<1000x144xf32>
    %get3A_195 = arith.constant 1 : index
    %get3A_196 = arith.constant 0 : index
    %get3A_197 = arith.constant 0 : index
    %get3A_198 = arith.constant 0 : index
    %get3A_199 = vector.load %arg8[%get3A_195, %get3A_196, %get3A_197, %get3A_198] : memref<3x9x144x144xf32, #tpu.memory_space<vmem>>, vector<1x1x144x144xf32>
    %get3A_200 = vector.shape_cast %get3A_199 : vector<1x1x144x144xf32> to vector<144x144xf32>
    %dot_general3A_201 = arith.constant dense<0.000000e+00> : vector<1000x144xf32>
    %dot_general3A_202 = tpu.matmul %dot_general3A_190, %get3A_200, %dot_general3A_201 {dimension_numbers = #tpu.dot_dimension_numbers<[1], [0], [0], [1], [0, 0, 1, 1], [], []>, transpose_lhs_hint = false} : vector<1000x144xf32>, vector<144x144xf32>, vector<1000x144xf32> -> vector<1000x144xf32>
    %mul3A_203 = arith.mulf %tile3A_194, %dot_general3A_202 : vector<1000x144xf32>
    %add3A_204 = arith.addf %broadcast_in_dim3A_192, %mul3A_203 : vector<1000x144xf32>
    %slice3A_205 = vector.extract_strided_slice %add3A_183 {offsets = [0, 16], sizes = [1000, 16], strides = [1, 1]} : vector<1000x144xf32> to vector<1000x16xf32>
    %tile3A_206 = tpu.concatenate %slice3A_205, %slice3A_205, %slice3A_205, %slice3A_205, %slice3A_205, %slice3A_205, %slice3A_205, %slice3A_205, %slice3A_205 in 1 : vector<1000x16xf32>, vector<1000x16xf32>, vector<1000x16xf32>, vector<1000x16xf32>, vector<1000x16xf32>, vector<1000x16xf32>, vector<1000x16xf32>, vector<1000x16xf32>, vector<1000x16xf32> -> vector<1000x144xf32>
    %get3A_207 = arith.constant 1 : index
    %get3A_208 = arith.constant 1 : index
    %get3A_209 = arith.constant 0 : index
    %get3A_210 = arith.constant 0 : index
    %get3A_211 = vector.load %arg8[%get3A_207, %get3A_208, %get3A_209, %get3A_210] : memref<3x9x144x144xf32, #tpu.memory_space<vmem>>, vector<1x1x144x144xf32>
    %get3A_212 = vector.shape_cast %get3A_211 : vector<1x1x144x144xf32> to vector<144x144xf32>
    %dot_general3A_213 = arith.constant dense<0.000000e+00> : vector<1000x144xf32>
    %dot_general3A_214 = tpu.matmul %dot_general3A_190, %get3A_212, %dot_general3A_213 {dimension_numbers = #tpu.dot_dimension_numbers<[1], [0], [0], [1], [0, 0, 1, 1], [], []>, transpose_lhs_hint = false} : vector<1000x144xf32>, vector<144x144xf32>, vector<1000x144xf32> -> vector<1000x144xf32>
    %mul3A_215 = arith.mulf %tile3A_206, %dot_general3A_214 : vector<1000x144xf32>
    %add3A_216 = arith.addf %add3A_204, %mul3A_215 : vector<1000x144xf32>
    %slice3A_217 = vector.extract_strided_slice %add3A_183 {offsets = [0, 32], sizes = [1000, 16], strides = [1, 1]} : vector<1000x144xf32> to vector<1000x16xf32>
    %tile3A_218 = tpu.concatenate %slice3A_217, %slice3A_217, %slice3A_217, %slice3A_217, %slice3A_217, %slice3A_217, %slice3A_217, %slice3A_217, %slice3A_217 in 1 : vector<1000x16xf32>, vector<1000x16xf32>, vector<1000x16xf32>, vector<1000x16xf32>, vector<1000x16xf32>, vector<1000x16xf32>, vector<1000x16xf32>, vector<1000x16xf32>, vector<1000x16xf32> -> vector<1000x144xf32>
    %get3A_219 = arith.constant 1 : index
    %get3A_220 = arith.constant 2 : index
    %get3A_221 = arith.constant 0 : index
    %get3A_222 = arith.constant 0 : index
    %get3A_223 = vector.load %arg8[%get3A_219, %get3A_220, %get3A_221, %get3A_222] : memref<3x9x144x144xf32, #tpu.memory_space<vmem>>, vector<1x1x144x144xf32>
    %get3A_224 = vector.shape_cast %get3A_223 : vector<1x1x144x144xf32> to vector<144x144xf32>
    %dot_general3A_225 = arith.constant dense<0.000000e+00> : vector<1000x144xf32>
    %dot_general3A_226 = tpu.matmul %dot_general3A_190, %get3A_224, %dot_general3A_225 {dimension_numbers = #tpu.dot_dimension_numbers<[1], [0], [0], [1], [0, 0, 1, 1], [], []>, transpose_lhs_hint = false} : vector<1000x144xf32>, vector<144x144xf32>, vector<1000x144xf32> -> vector<1000x144xf32>
    %mul3A_227 = arith.mulf %tile3A_218, %dot_general3A_226 : vector<1000x144xf32>
    %add3A_228 = arith.addf %add3A_216, %mul3A_227 : vector<1000x144xf32>
    %slice3A_229 = vector.extract_strided_slice %add3A_183 {offsets = [0, 48], sizes = [1000, 16], strides = [1, 1]} : vector<1000x144xf32> to vector<1000x16xf32>
    %tile3A_230 = tpu.concatenate %slice3A_229, %slice3A_229, %slice3A_229, %slice3A_229, %slice3A_229, %slice3A_229, %slice3A_229, %slice3A_229, %slice3A_229 in 1 : vector<1000x16xf32>, vector<1000x16xf32>, vector<1000x16xf32>, vector<1000x16xf32>, vector<1000x16xf32>, vector<1000x16xf32>, vector<1000x16xf32>, vector<1000x16xf32>, vector<1000x16xf32> -> vector<1000x144xf32>
    %get3A_231 = arith.constant 1 : index
    %get3A_232 = arith.constant 3 : index
    %get3A_233 = arith.constant 0 : index
    %get3A_234 = arith.constant 0 : index
    %get3A_235 = vector.load %arg8[%get3A_231, %get3A_232, %get3A_233, %get3A_234] : memref<3x9x144x144xf32, #tpu.memory_space<vmem>>, vector<1x1x144x144xf32>
    %get3A_236 = vector.shape_cast %get3A_235 : vector<1x1x144x144xf32> to vector<144x144xf32>
    %dot_general3A_237 = arith.constant dense<0.000000e+00> : vector<1000x144xf32>
    %dot_general3A_238 = tpu.matmul %dot_general3A_190, %get3A_236, %dot_general3A_237 {dimension_numbers = #tpu.dot_dimension_numbers<[1], [0], [0], [1], [0, 0, 1, 1], [], []>, transpose_lhs_hint = false} : vector<1000x144xf32>, vector<144x144xf32>, vector<1000x144xf32> -> vector<1000x144xf32>
    %mul3A_239 = arith.mulf %tile3A_230, %dot_general3A_238 : vector<1000x144xf32>
    %add3A_240 = arith.addf %add3A_228, %mul3A_239 : vector<1000x144xf32>
    %slice3A_241 = vector.extract_strided_slice %add3A_183 {offsets = [0, 64], sizes = [1000, 16], strides = [1, 1]} : vector<1000x144xf32> to vector<1000x16xf32>
    %tile3A_242 = tpu.concatenate %slice3A_241, %slice3A_241, %slice3A_241, %slice3A_241, %slice3A_241, %slice3A_241, %slice3A_241, %slice3A_241, %slice3A_241 in 1 : vector<1000x16xf32>, vector<1000x16xf32>, vector<1000x16xf32>, vector<1000x16xf32>, vector<1000x16xf32>, vector<1000x16xf32>, vector<1000x16xf32>, vector<1000x16xf32>, vector<1000x16xf32> -> vector<1000x144xf32>
    %get3A_243 = arith.constant 1 : index
    %get3A_244 = arith.constant 4 : index
    %get3A_245 = arith.constant 0 : index
    %get3A_246 = arith.constant 0 : index
    %get3A_247 = vector.load %arg8[%get3A_243, %get3A_244, %get3A_245, %get3A_246] : memref<3x9x144x144xf32, #tpu.memory_space<vmem>>, vector<1x1x144x144xf32>
    %get3A_248 = vector.shape_cast %get3A_247 : vector<1x1x144x144xf32> to vector<144x144xf32>
    %dot_general3A_249 = arith.constant dense<0.000000e+00> : vector<1000x144xf32>
    %dot_general3A_250 = tpu.matmul %dot_general3A_190, %get3A_248, %dot_general3A_249 {dimension_numbers = #tpu.dot_dimension_numbers<[1], [0], [0], [1], [0, 0, 1, 1], [], []>, transpose_lhs_hint = false} : vector<1000x144xf32>, vector<144x144xf32>, vector<1000x144xf32> -> vector<1000x144xf32>
    %mul3A_251 = arith.mulf %tile3A_242, %dot_general3A_250 : vector<1000x144xf32>
    %add3A_252 = arith.addf %add3A_240, %mul3A_251 : vector<1000x144xf32>
    %slice3A_253 = vector.extract_strided_slice %add3A_183 {offsets = [0, 80], sizes = [1000, 16], strides = [1, 1]} : vector<1000x144xf32> to vector<1000x16xf32>
    %tile3A_254 = tpu.concatenate %slice3A_253, %slice3A_253, %slice3A_253, %slice3A_253, %slice3A_253, %slice3A_253, %slice3A_253, %slice3A_253, %slice3A_253 in 1 : vector<1000x16xf32>, vector<1000x16xf32>, vector<1000x16xf32>, vector<1000x16xf32>, vector<1000x16xf32>, vector<1000x16xf32>, vector<1000x16xf32>, vector<1000x16xf32>, vector<1000x16xf32> -> vector<1000x144xf32>
    %get3A_255 = arith.constant 1 : index
    %get3A_256 = arith.constant 5 : index
    %get3A_257 = arith.constant 0 : index
    %get3A_258 = arith.constant 0 : index
    %get3A_259 = vector.load %arg8[%get3A_255, %get3A_256, %get3A_257, %get3A_258] : memref<3x9x144x144xf32, #tpu.memory_space<vmem>>, vector<1x1x144x144xf32>
    %get3A_260 = vector.shape_cast %get3A_259 : vector<1x1x144x144xf32> to vector<144x144xf32>
    %dot_general3A_261 = arith.constant dense<0.000000e+00> : vector<1000x144xf32>
    %dot_general3A_262 = tpu.matmul %dot_general3A_190, %get3A_260, %dot_general3A_261 {dimension_numbers = #tpu.dot_dimension_numbers<[1], [0], [0], [1], [0, 0, 1, 1], [], []>, transpose_lhs_hint = false} : vector<1000x144xf32>, vector<144x144xf32>, vector<1000x144xf32> -> vector<1000x144xf32>
    %mul3A_263 = arith.mulf %tile3A_254, %dot_general3A_262 : vector<1000x144xf32>
    %add3A_264 = arith.addf %add3A_252, %mul3A_263 : vector<1000x144xf32>
    %slice3A_265 = vector.extract_strided_slice %add3A_183 {offsets = [0, 96], sizes = [1000, 16], strides = [1, 1]} : vector<1000x144xf32> to vector<1000x16xf32>
    %tile3A_266 = tpu.concatenate %slice3A_265, %slice3A_265, %slice3A_265, %slice3A_265, %slice3A_265, %slice3A_265, %slice3A_265, %slice3A_265, %slice3A_265 in 1 : vector<1000x16xf32>, vector<1000x16xf32>, vector<1000x16xf32>, vector<1000x16xf32>, vector<1000x16xf32>, vector<1000x16xf32>, vector<1000x16xf32>, vector<1000x16xf32>, vector<1000x16xf32> -> vector<1000x144xf32>
    %get3A_267 = arith.constant 1 : index
    %get3A_268 = arith.constant 6 : index
    %get3A_269 = arith.constant 0 : index
    %get3A_270 = arith.constant 0 : index
    %get3A_271 = vector.load %arg8[%get3A_267, %get3A_268, %get3A_269, %get3A_270] : memref<3x9x144x144xf32, #tpu.memory_space<vmem>>, vector<1x1x144x144xf32>
    %get3A_272 = vector.shape_cast %get3A_271 : vector<1x1x144x144xf32> to vector<144x144xf32>
    %dot_general3A_273 = arith.constant dense<0.000000e+00> : vector<1000x144xf32>
    %dot_general3A_274 = tpu.matmul %dot_general3A_190, %get3A_272, %dot_general3A_273 {dimension_numbers = #tpu.dot_dimension_numbers<[1], [0], [0], [1], [0, 0, 1, 1], [], []>, transpose_lhs_hint = false} : vector<1000x144xf32>, vector<144x144xf32>, vector<1000x144xf32> -> vector<1000x144xf32>
    %mul3A_275 = arith.mulf %tile3A_266, %dot_general3A_274 : vector<1000x144xf32>
    %add3A_276 = arith.addf %add3A_264, %mul3A_275 : vector<1000x144xf32>
    %slice3A_277 = vector.extract_strided_slice %add3A_183 {offsets = [0, 112], sizes = [1000, 16], strides = [1, 1]} : vector<1000x144xf32> to vector<1000x16xf32>
    %tile3A_278 = tpu.concatenate %slice3A_277, %slice3A_277, %slice3A_277, %slice3A_277, %slice3A_277, %slice3A_277, %slice3A_277, %slice3A_277, %slice3A_277 in 1 : vector<1000x16xf32>, vector<1000x16xf32>, vector<1000x16xf32>, vector<1000x16xf32>, vector<1000x16xf32>, vector<1000x16xf32>, vector<1000x16xf32>, vector<1000x16xf32>, vector<1000x16xf32> -> vector<1000x144xf32>
    %get3A_279 = arith.constant 1 : index
    %get3A_280 = arith.constant 7 : index
    %get3A_281 = arith.constant 0 : index
    %get3A_282 = arith.constant 0 : index
    %get3A_283 = vector.load %arg8[%get3A_279, %get3A_280, %get3A_281, %get3A_282] : memref<3x9x144x144xf32, #tpu.memory_space<vmem>>, vector<1x1x144x144xf32>
    %get3A_284 = vector.shape_cast %get3A_283 : vector<1x1x144x144xf32> to vector<144x144xf32>
    %dot_general3A_285 = arith.constant dense<0.000000e+00> : vector<1000x144xf32>
    %dot_general3A_286 = tpu.matmul %dot_general3A_190, %get3A_284, %dot_general3A_285 {dimension_numbers = #tpu.dot_dimension_numbers<[1], [0], [0], [1], [0, 0, 1, 1], [], []>, transpose_lhs_hint = false} : vector<1000x144xf32>, vector<144x144xf32>, vector<1000x144xf32> -> vector<1000x144xf32>
    %mul3A_287 = arith.mulf %tile3A_278, %dot_general3A_286 : vector<1000x144xf32>
    %add3A_288 = arith.addf %add3A_276, %mul3A_287 : vector<1000x144xf32>
    %slice3A_289 = vector.extract_strided_slice %add3A_183 {offsets = [0, 128], sizes = [1000, 16], strides = [1, 1]} : vector<1000x144xf32> to vector<1000x16xf32>
    %tile3A_290 = tpu.concatenate %slice3A_289, %slice3A_289, %slice3A_289, %slice3A_289, %slice3A_289, %slice3A_289, %slice3A_289, %slice3A_289, %slice3A_289 in 1 : vector<1000x16xf32>, vector<1000x16xf32>, vector<1000x16xf32>, vector<1000x16xf32>, vector<1000x16xf32>, vector<1000x16xf32>, vector<1000x16xf32>, vector<1000x16xf32>, vector<1000x16xf32> -> vector<1000x144xf32>
    %get3A_291 = arith.constant 1 : index
    %get3A_292 = arith.constant 8 : index
    %get3A_293 = arith.constant 0 : index
    %get3A_294 = arith.constant 0 : index
    %get3A_295 = vector.load %arg8[%get3A_291, %get3A_292, %get3A_293, %get3A_294] : memref<3x9x144x144xf32, #tpu.memory_space<vmem>>, vector<1x1x144x144xf32>
    %get3A_296 = vector.shape_cast %get3A_295 : vector<1x1x144x144xf32> to vector<144x144xf32>
    %dot_general3A_297 = arith.constant dense<0.000000e+00> : vector<1000x144xf32>
    %dot_general3A_298 = tpu.matmul %dot_general3A_190, %get3A_296, %dot_general3A_297 {dimension_numbers = #tpu.dot_dimension_numbers<[1], [0], [0], [1], [0, 0, 1, 1], [], []>, transpose_lhs_hint = false} : vector<1000x144xf32>, vector<144x144xf32>, vector<1000x144xf32> -> vector<1000x144xf32>
    %mul3A_299 = arith.mulf %tile3A_290, %dot_general3A_298 : vector<1000x144xf32>
    %add3A_300 = arith.addf %add3A_288, %mul3A_299 : vector<1000x144xf32>
    %slice3A_301 = vector.extract_strided_slice %add3A_300 {offsets = [0, 0], sizes = [1000, 16], strides = [1, 1]} : vector<1000x144xf32> to vector<1000x16xf32>
    %concatenate3A_302 = tpu.concatenate %add3A_175, %slice3A_301 in 1 : vector<1000x128xf32>, vector<1000x16xf32> -> vector<1000x144xf32>
    %get3A_303 = arith.constant 1 : index
    %get3A_304 = arith.constant 0 : index
    %get3A_305 = arith.constant 0 : index
    %get3A_306 = vector.load %arg9[%get3A_303, %get3A_304, %get3A_305] : memref<3x144x128xf32, #tpu.memory_space<vmem>>, vector<1x144x128xf32>
    %get3A_307 = vector.shape_cast %get3A_306 : vector<1x144x128xf32> to vector<144x128xf32>
    %dot_general3A_308 = arith.constant dense<0.000000e+00> : vector<1000x128xf32>
    %dot_general3A_309 = tpu.matmul %concatenate3A_302, %get3A_307, %dot_general3A_308 {dimension_numbers = #tpu.dot_dimension_numbers<[1], [0], [0], [1], [0, 0, 1, 1], [], []>, transpose_lhs_hint = false} : vector<1000x144xf32>, vector<144x128xf32>, vector<1000x128xf32> -> vector<1000x128xf32>
    %get3A_310 = arith.constant 1 : index
    %get3A_311 = arith.constant 0 : index
    %get3A_312 = arith.constant 0 : index
    %get3A_313 = vector.load %arg10[%get3A_310, %get3A_311, %get3A_312] : memref<3x1x128xf32, #tpu.memory_space<vmem>>, vector<1x1x128xf32>
    %get3A_314 = vector.shape_cast %get3A_313 : vector<1x1x128xf32> to vector<1x128xf32>
    %add3A_315 = vector.broadcast %get3A_314 : vector<1x128xf32> to vector<1000x128xf32>
    %add3A_316 = arith.addf %dot_general3A_309, %add3A_315 : vector<1000x128xf32>
    %logistic3A_317 = arith.negf %add3A_316 : vector<1000x128xf32>
    %logistic3A_318 = math.exp %logistic3A_317 : vector<1000x128xf32>
    %logistic3A_319 = arith.constant 1.000000e+00 : f32
    %logistic3A_320 = vector.broadcast %logistic3A_319 : f32 to vector<1000x128xf32>
    %logistic3A_321 = arith.addf %logistic3A_320, %logistic3A_318 : vector<1000x128xf32>
    %logistic3A_322 = arith.divf %logistic3A_320, %logistic3A_321 : vector<1000x128xf32>
    %mul3A_323 = arith.mulf %add3A_316, %logistic3A_322 : vector<1000x128xf32>
    %get3A_324 = arith.constant 1 : index
    %get3A_325 = arith.constant 0 : index
    %get3A_326 = arith.constant 0 : index
    %get3A_327 = vector.load %arg11[%get3A_324, %get3A_325, %get3A_326] : memref<3x128x128xf32, #tpu.memory_space<vmem>>, vector<1x128x128xf32>
    %get3A_328 = vector.shape_cast %get3A_327 : vector<1x128x128xf32> to vector<128x128xf32>
    %dot_general3A_329 = arith.constant dense<0.000000e+00> : vector<1000x128xf32>
    %dot_general3A_330 = tpu.matmul %mul3A_323, %get3A_328, %dot_general3A_329 {dimension_numbers = #tpu.dot_dimension_numbers<[1], [0], [0], [1], [0, 0, 1, 1], [], []>, transpose_lhs_hint = false} : vector<1000x128xf32>, vector<128x128xf32>, vector<1000x128xf32> -> vector<1000x128xf32>
    %add3A_331 = arith.addf %add3A_175, %dot_general3A_330 : vector<1000x128xf32>
    %get3A_332 = arith.constant 1 : index
    %get3A_333 = arith.constant 0 : index
    %get3A_334 = arith.constant 0 : index
    %get3A_335 = vector.load %arg12[%get3A_332, %get3A_333, %get3A_334] : memref<3x1x128xf32, #tpu.memory_space<vmem>>, vector<1x1x128xf32>
    %get3A_336 = vector.shape_cast %get3A_335 : vector<1x1x128xf32> to vector<1x128xf32>
    %add3A_337 = vector.broadcast %get3A_336 : vector<1x128xf32> to vector<1000x128xf32>
    %add3A_338 = arith.addf %add3A_331, %add3A_337 : vector<1000x128xf32>
    %get3A_339 = arith.constant 1 : index
    %get3A_340 = arith.constant 0 : index
    %get3A_341 = arith.constant 0 : index
    %get3A_342 = vector.load %arg13[%get3A_339, %get3A_340, %get3A_341] : memref<3x144x144xf32, #tpu.memory_space<vmem>>, vector<1x144x144xf32>
    %get3A_343 = vector.shape_cast %get3A_342 : vector<1x144x144xf32> to vector<144x144xf32>
    %dot_general3A_344 = arith.constant dense<0.000000e+00> : vector<1000x144xf32>
    %dot_general3A_345 = tpu.matmul %add3A_300, %get3A_343, %dot_general3A_344 {dimension_numbers = #tpu.dot_dimension_numbers<[1], [0], [0], [1], [0, 0, 1, 1], [], []>, transpose_lhs_hint = false} : vector<1000x144xf32>, vector<144x144xf32>, vector<1000x144xf32> -> vector<1000x144xf32>
    %add3A_346 = arith.addf %add3A_183, %dot_general3A_345 : vector<1000x144xf32>
    %get3A_347 = arith.constant 2 : index
    %get3A_348 = arith.constant 0 : index
    %get3A_349 = arith.constant 0 : index
    %get3A_350 = vector.load %arg7[%get3A_347, %get3A_348, %get3A_349] : memref<3x144x144xf32, #tpu.memory_space<vmem>>, vector<1x144x144xf32>
    %get3A_351 = vector.shape_cast %get3A_350 : vector<1x144x144xf32> to vector<144x144xf32>
    %dot_general3A_352 = arith.constant dense<0.000000e+00> : vector<1000x144xf32>
    %dot_general3A_353 = tpu.matmul %mul3A_16, %get3A_351, %dot_general3A_352 {dimension_numbers = #tpu.dot_dimension_numbers<[1], [0], [0], [1], [0, 0, 1, 1], [], []>, transpose_lhs_hint = false} : vector<1000x144xf32>, vector<144x144xf32>, vector<1000x144xf32> -> vector<1000x144xf32>
    %broadcast_in_dim3A_354 = arith.constant 0.000000e+00 : f32
    %broadcast_in_dim3A_355 = vector.broadcast %broadcast_in_dim3A_354 : f32 to vector<1000x144xf32>
    %slice3A_356 = vector.extract_strided_slice %add3A_346 {offsets = [0, 0], sizes = [1000, 16], strides = [1, 1]} : vector<1000x144xf32> to vector<1000x16xf32>
    %tile3A_357 = tpu.concatenate %slice3A_356, %slice3A_356, %slice3A_356, %slice3A_356, %slice3A_356, %slice3A_356, %slice3A_356, %slice3A_356, %slice3A_356 in 1 : vector<1000x16xf32>, vector<1000x16xf32>, vector<1000x16xf32>, vector<1000x16xf32>, vector<1000x16xf32>, vector<1000x16xf32>, vector<1000x16xf32>, vector<1000x16xf32>, vector<1000x16xf32> -> vector<1000x144xf32>
    %get3A_358 = arith.constant 2 : index
    %get3A_359 = arith.constant 0 : index
    %get3A_360 = arith.constant 0 : index
    %get3A_361 = arith.constant 0 : index
    %get3A_362 = vector.load %arg8[%get3A_358, %get3A_359, %get3A_360, %get3A_361] : memref<3x9x144x144xf32, #tpu.memory_space<vmem>>, vector<1x1x144x144xf32>
    %get3A_363 = vector.shape_cast %get3A_362 : vector<1x1x144x144xf32> to vector<144x144xf32>
    %dot_general3A_364 = arith.constant dense<0.000000e+00> : vector<1000x144xf32>
    %dot_general3A_365 = tpu.matmul %dot_general3A_353, %get3A_363, %dot_general3A_364 {dimension_numbers = #tpu.dot_dimension_numbers<[1], [0], [0], [1], [0, 0, 1, 1], [], []>, transpose_lhs_hint = false} : vector<1000x144xf32>, vector<144x144xf32>, vector<1000x144xf32> -> vector<1000x144xf32>
    %mul3A_366 = arith.mulf %tile3A_357, %dot_general3A_365 : vector<1000x144xf32>
    %add3A_367 = arith.addf %broadcast_in_dim3A_355, %mul3A_366 : vector<1000x144xf32>
    %slice3A_368 = vector.extract_strided_slice %add3A_346 {offsets = [0, 16], sizes = [1000, 16], strides = [1, 1]} : vector<1000x144xf32> to vector<1000x16xf32>
    %tile3A_369 = tpu.concatenate %slice3A_368, %slice3A_368, %slice3A_368, %slice3A_368, %slice3A_368, %slice3A_368, %slice3A_368, %slice3A_368, %slice3A_368 in 1 : vector<1000x16xf32>, vector<1000x16xf32>, vector<1000x16xf32>, vector<1000x16xf32>, vector<1000x16xf32>, vector<1000x16xf32>, vector<1000x16xf32>, vector<1000x16xf32>, vector<1000x16xf32> -> vector<1000x144xf32>
    %get3A_370 = arith.constant 2 : index
    %get3A_371 = arith.constant 1 : index
    %get3A_372 = arith.constant 0 : index
    %get3A_373 = arith.constant 0 : index
    %get3A_374 = vector.load %arg8[%get3A_370, %get3A_371, %get3A_372, %get3A_373] : memref<3x9x144x144xf32, #tpu.memory_space<vmem>>, vector<1x1x144x144xf32>
    %get3A_375 = vector.shape_cast %get3A_374 : vector<1x1x144x144xf32> to vector<144x144xf32>
    %dot_general3A_376 = arith.constant dense<0.000000e+00> : vector<1000x144xf32>
    %dot_general3A_377 = tpu.matmul %dot_general3A_353, %get3A_375, %dot_general3A_376 {dimension_numbers = #tpu.dot_dimension_numbers<[1], [0], [0], [1], [0, 0, 1, 1], [], []>, transpose_lhs_hint = false} : vector<1000x144xf32>, vector<144x144xf32>, vector<1000x144xf32> -> vector<1000x144xf32>
    %mul3A_378 = arith.mulf %tile3A_369, %dot_general3A_377 : vector<1000x144xf32>
    %add3A_379 = arith.addf %add3A_367, %mul3A_378 : vector<1000x144xf32>
    %slice3A_380 = vector.extract_strided_slice %add3A_346 {offsets = [0, 32], sizes = [1000, 16], strides = [1, 1]} : vector<1000x144xf32> to vector<1000x16xf32>
    %tile3A_381 = tpu.concatenate %slice3A_380, %slice3A_380, %slice3A_380, %slice3A_380, %slice3A_380, %slice3A_380, %slice3A_380, %slice3A_380, %slice3A_380 in 1 : vector<1000x16xf32>, vector<1000x16xf32>, vector<1000x16xf32>, vector<1000x16xf32>, vector<1000x16xf32>, vector<1000x16xf32>, vector<1000x16xf32>, vector<1000x16xf32>, vector<1000x16xf32> -> vector<1000x144xf32>
    %get3A_382 = arith.constant 2 : index
    %get3A_383 = arith.constant 2 : index
    %get3A_384 = arith.constant 0 : index
    %get3A_385 = arith.constant 0 : index
    %get3A_386 = vector.load %arg8[%get3A_382, %get3A_383, %get3A_384, %get3A_385] : memref<3x9x144x144xf32, #tpu.memory_space<vmem>>, vector<1x1x144x144xf32>
    %get3A_387 = vector.shape_cast %get3A_386 : vector<1x1x144x144xf32> to vector<144x144xf32>
    %dot_general3A_388 = arith.constant dense<0.000000e+00> : vector<1000x144xf32>
    %dot_general3A_389 = tpu.matmul %dot_general3A_353, %get3A_387, %dot_general3A_388 {dimension_numbers = #tpu.dot_dimension_numbers<[1], [0], [0], [1], [0, 0, 1, 1], [], []>, transpose_lhs_hint = false} : vector<1000x144xf32>, vector<144x144xf32>, vector<1000x144xf32> -> vector<1000x144xf32>
    %mul3A_390 = arith.mulf %tile3A_381, %dot_general3A_389 : vector<1000x144xf32>
    %add3A_391 = arith.addf %add3A_379, %mul3A_390 : vector<1000x144xf32>
    %slice3A_392 = vector.extract_strided_slice %add3A_346 {offsets = [0, 48], sizes = [1000, 16], strides = [1, 1]} : vector<1000x144xf32> to vector<1000x16xf32>
    %tile3A_393 = tpu.concatenate %slice3A_392, %slice3A_392, %slice3A_392, %slice3A_392, %slice3A_392, %slice3A_392, %slice3A_392, %slice3A_392, %slice3A_392 in 1 : vector<1000x16xf32>, vector<1000x16xf32>, vector<1000x16xf32>, vector<1000x16xf32>, vector<1000x16xf32>, vector<1000x16xf32>, vector<1000x16xf32>, vector<1000x16xf32>, vector<1000x16xf32> -> vector<1000x144xf32>
    %get3A_394 = arith.constant 2 : index
    %get3A_395 = arith.constant 3 : index
    %get3A_396 = arith.constant 0 : index
    %get3A_397 = arith.constant 0 : index
    %get3A_398 = vector.load %arg8[%get3A_394, %get3A_395, %get3A_396, %get3A_397] : memref<3x9x144x144xf32, #tpu.memory_space<vmem>>, vector<1x1x144x144xf32>
    %get3A_399 = vector.shape_cast %get3A_398 : vector<1x1x144x144xf32> to vector<144x144xf32>
    %dot_general3A_400 = arith.constant dense<0.000000e+00> : vector<1000x144xf32>
    %dot_general3A_401 = tpu.matmul %dot_general3A_353, %get3A_399, %dot_general3A_400 {dimension_numbers = #tpu.dot_dimension_numbers<[1], [0], [0], [1], [0, 0, 1, 1], [], []>, transpose_lhs_hint = false} : vector<1000x144xf32>, vector<144x144xf32>, vector<1000x144xf32> -> vector<1000x144xf32>
    %mul3A_402 = arith.mulf %tile3A_393, %dot_general3A_401 : vector<1000x144xf32>
    %add3A_403 = arith.addf %add3A_391, %mul3A_402 : vector<1000x144xf32>
    %slice3A_404 = vector.extract_strided_slice %add3A_346 {offsets = [0, 64], sizes = [1000, 16], strides = [1, 1]} : vector<1000x144xf32> to vector<1000x16xf32>
    %tile3A_405 = tpu.concatenate %slice3A_404, %slice3A_404, %slice3A_404, %slice3A_404, %slice3A_404, %slice3A_404, %slice3A_404, %slice3A_404, %slice3A_404 in 1 : vector<1000x16xf32>, vector<1000x16xf32>, vector<1000x16xf32>, vector<1000x16xf32>, vector<1000x16xf32>, vector<1000x16xf32>, vector<1000x16xf32>, vector<1000x16xf32>, vector<1000x16xf32> -> vector<1000x144xf32>
    %get3A_406 = arith.constant 2 : index
    %get3A_407 = arith.constant 4 : index
    %get3A_408 = arith.constant 0 : index
    %get3A_409 = arith.constant 0 : index
    %get3A_410 = vector.load %arg8[%get3A_406, %get3A_407, %get3A_408, %get3A_409] : memref<3x9x144x144xf32, #tpu.memory_space<vmem>>, vector<1x1x144x144xf32>
    %get3A_411 = vector.shape_cast %get3A_410 : vector<1x1x144x144xf32> to vector<144x144xf32>
    %dot_general3A_412 = arith.constant dense<0.000000e+00> : vector<1000x144xf32>
    %dot_general3A_413 = tpu.matmul %dot_general3A_353, %get3A_411, %dot_general3A_412 {dimension_numbers = #tpu.dot_dimension_numbers<[1], [0], [0], [1], [0, 0, 1, 1], [], []>, transpose_lhs_hint = false} : vector<1000x144xf32>, vector<144x144xf32>, vector<1000x144xf32> -> vector<1000x144xf32>
    %mul3A_414 = arith.mulf %tile3A_405, %dot_general3A_413 : vector<1000x144xf32>
    %add3A_415 = arith.addf %add3A_403, %mul3A_414 : vector<1000x144xf32>
    %slice3A_416 = vector.extract_strided_slice %add3A_346 {offsets = [0, 80], sizes = [1000, 16], strides = [1, 1]} : vector<1000x144xf32> to vector<1000x16xf32>
    %tile3A_417 = tpu.concatenate %slice3A_416, %slice3A_416, %slice3A_416, %slice3A_416, %slice3A_416, %slice3A_416, %slice3A_416, %slice3A_416, %slice3A_416 in 1 : vector<1000x16xf32>, vector<1000x16xf32>, vector<1000x16xf32>, vector<1000x16xf32>, vector<1000x16xf32>, vector<1000x16xf32>, vector<1000x16xf32>, vector<1000x16xf32>, vector<1000x16xf32> -> vector<1000x144xf32>
    %get3A_418 = arith.constant 2 : index
    %get3A_419 = arith.constant 5 : index
    %get3A_420 = arith.constant 0 : index
    %get3A_421 = arith.constant 0 : index
    %get3A_422 = vector.load %arg8[%get3A_418, %get3A_419, %get3A_420, %get3A_421] : memref<3x9x144x144xf32, #tpu.memory_space<vmem>>, vector<1x1x144x144xf32>
    %get3A_423 = vector.shape_cast %get3A_422 : vector<1x1x144x144xf32> to vector<144x144xf32>
    %dot_general3A_424 = arith.constant dense<0.000000e+00> : vector<1000x144xf32>
    %dot_general3A_425 = tpu.matmul %dot_general3A_353, %get3A_423, %dot_general3A_424 {dimension_numbers = #tpu.dot_dimension_numbers<[1], [0], [0], [1], [0, 0, 1, 1], [], []>, transpose_lhs_hint = false} : vector<1000x144xf32>, vector<144x144xf32>, vector<1000x144xf32> -> vector<1000x144xf32>
    %mul3A_426 = arith.mulf %tile3A_417, %dot_general3A_425 : vector<1000x144xf32>
    %add3A_427 = arith.addf %add3A_415, %mul3A_426 : vector<1000x144xf32>
    %slice3A_428 = vector.extract_strided_slice %add3A_346 {offsets = [0, 96], sizes = [1000, 16], strides = [1, 1]} : vector<1000x144xf32> to vector<1000x16xf32>
    %tile3A_429 = tpu.concatenate %slice3A_428, %slice3A_428, %slice3A_428, %slice3A_428, %slice3A_428, %slice3A_428, %slice3A_428, %slice3A_428, %slice3A_428 in 1 : vector<1000x16xf32>, vector<1000x16xf32>, vector<1000x16xf32>, vector<1000x16xf32>, vector<1000x16xf32>, vector<1000x16xf32>, vector<1000x16xf32>, vector<1000x16xf32>, vector<1000x16xf32> -> vector<1000x144xf32>
    %get3A_430 = arith.constant 2 : index
    %get3A_431 = arith.constant 6 : index
    %get3A_432 = arith.constant 0 : index
    %get3A_433 = arith.constant 0 : index
    %get3A_434 = vector.load %arg8[%get3A_430, %get3A_431, %get3A_432, %get3A_433] : memref<3x9x144x144xf32, #tpu.memory_space<vmem>>, vector<1x1x144x144xf32>
    %get3A_435 = vector.shape_cast %get3A_434 : vector<1x1x144x144xf32> to vector<144x144xf32>
    %dot_general3A_436 = arith.constant dense<0.000000e+00> : vector<1000x144xf32>
    %dot_general3A_437 = tpu.matmul %dot_general3A_353, %get3A_435, %dot_general3A_436 {dimension_numbers = #tpu.dot_dimension_numbers<[1], [0], [0], [1], [0, 0, 1, 1], [], []>, transpose_lhs_hint = false} : vector<1000x144xf32>, vector<144x144xf32>, vector<1000x144xf32> -> vector<1000x144xf32>
    %mul3A_438 = arith.mulf %tile3A_429, %dot_general3A_437 : vector<1000x144xf32>
    %add3A_439 = arith.addf %add3A_427, %mul3A_438 : vector<1000x144xf32>
    %slice3A_440 = vector.extract_strided_slice %add3A_346 {offsets = [0, 112], sizes = [1000, 16], strides = [1, 1]} : vector<1000x144xf32> to vector<1000x16xf32>
    %tile3A_441 = tpu.concatenate %slice3A_440, %slice3A_440, %slice3A_440, %slice3A_440, %slice3A_440, %slice3A_440, %slice3A_440, %slice3A_440, %slice3A_440 in 1 : vector<1000x16xf32>, vector<1000x16xf32>, vector<1000x16xf32>, vector<1000x16xf32>, vector<1000x16xf32>, vector<1000x16xf32>, vector<1000x16xf32>, vector<1000x16xf32>, vector<1000x16xf32> -> vector<1000x144xf32>
    %get3A_442 = arith.constant 2 : index
    %get3A_443 = arith.constant 7 : index
    %get3A_444 = arith.constant 0 : index
    %get3A_445 = arith.constant 0 : index
    %get3A_446 = vector.load %arg8[%get3A_442, %get3A_443, %get3A_444, %get3A_445] : memref<3x9x144x144xf32, #tpu.memory_space<vmem>>, vector<1x1x144x144xf32>
    %get3A_447 = vector.shape_cast %get3A_446 : vector<1x1x144x144xf32> to vector<144x144xf32>
    %dot_general3A_448 = arith.constant dense<0.000000e+00> : vector<1000x144xf32>
    %dot_general3A_449 = tpu.matmul %dot_general3A_353, %get3A_447, %dot_general3A_448 {dimension_numbers = #tpu.dot_dimension_numbers<[1], [0], [0], [1], [0, 0, 1, 1], [], []>, transpose_lhs_hint = false} : vector<1000x144xf32>, vector<144x144xf32>, vector<1000x144xf32> -> vector<1000x144xf32>
    %mul3A_450 = arith.mulf %tile3A_441, %dot_general3A_449 : vector<1000x144xf32>
    %add3A_451 = arith.addf %add3A_439, %mul3A_450 : vector<1000x144xf32>
    %slice3A_452 = vector.extract_strided_slice %add3A_346 {offsets = [0, 128], sizes = [1000, 16], strides = [1, 1]} : vector<1000x144xf32> to vector<1000x16xf32>
    %tile3A_453 = tpu.concatenate %slice3A_452, %slice3A_452, %slice3A_452, %slice3A_452, %slice3A_452, %slice3A_452, %slice3A_452, %slice3A_452, %slice3A_452 in 1 : vector<1000x16xf32>, vector<1000x16xf32>, vector<1000x16xf32>, vector<1000x16xf32>, vector<1000x16xf32>, vector<1000x16xf32>, vector<1000x16xf32>, vector<1000x16xf32>, vector<1000x16xf32> -> vector<1000x144xf32>
    %get3A_454 = arith.constant 2 : index
    %get3A_455 = arith.constant 8 : index
    %get3A_456 = arith.constant 0 : index
    %get3A_457 = arith.constant 0 : index
    %get3A_458 = vector.load %arg8[%get3A_454, %get3A_455, %get3A_456, %get3A_457] : memref<3x9x144x144xf32, #tpu.memory_space<vmem>>, vector<1x1x144x144xf32>
    %get3A_459 = vector.shape_cast %get3A_458 : vector<1x1x144x144xf32> to vector<144x144xf32>
    %dot_general3A_460 = arith.constant dense<0.000000e+00> : vector<1000x144xf32>
    %dot_general3A_461 = tpu.matmul %dot_general3A_353, %get3A_459, %dot_general3A_460 {dimension_numbers = #tpu.dot_dimension_numbers<[1], [0], [0], [1], [0, 0, 1, 1], [], []>, transpose_lhs_hint = false} : vector<1000x144xf32>, vector<144x144xf32>, vector<1000x144xf32> -> vector<1000x144xf32>
    %mul3A_462 = arith.mulf %tile3A_453, %dot_general3A_461 : vector<1000x144xf32>
    %add3A_463 = arith.addf %add3A_451, %mul3A_462 : vector<1000x144xf32>
    %slice3A_464 = vector.extract_strided_slice %add3A_463 {offsets = [0, 0], sizes = [1000, 16], strides = [1, 1]} : vector<1000x144xf32> to vector<1000x16xf32>
    %concatenate3A_465 = tpu.concatenate %add3A_338, %slice3A_464 in 1 : vector<1000x128xf32>, vector<1000x16xf32> -> vector<1000x144xf32>
    %get3A_466 = arith.constant 2 : index
    %get3A_467 = arith.constant 0 : index
    %get3A_468 = arith.constant 0 : index
    %get3A_469 = vector.load %arg9[%get3A_466, %get3A_467, %get3A_468] : memref<3x144x128xf32, #tpu.memory_space<vmem>>, vector<1x144x128xf32>
    %get3A_470 = vector.shape_cast %get3A_469 : vector<1x144x128xf32> to vector<144x128xf32>
    %dot_general3A_471 = arith.constant dense<0.000000e+00> : vector<1000x128xf32>
    %dot_general3A_472 = tpu.matmul %concatenate3A_465, %get3A_470, %dot_general3A_471 {dimension_numbers = #tpu.dot_dimension_numbers<[1], [0], [0], [1], [0, 0, 1, 1], [], []>, transpose_lhs_hint = false} : vector<1000x144xf32>, vector<144x128xf32>, vector<1000x128xf32> -> vector<1000x128xf32>
    %get3A_473 = arith.constant 2 : index
    %get3A_474 = arith.constant 0 : index
    %get3A_475 = arith.constant 0 : index
    %get3A_476 = vector.load %arg10[%get3A_473, %get3A_474, %get3A_475] : memref<3x1x128xf32, #tpu.memory_space<vmem>>, vector<1x1x128xf32>
    %get3A_477 = vector.shape_cast %get3A_476 : vector<1x1x128xf32> to vector<1x128xf32>
    %add3A_478 = vector.broadcast %get3A_477 : vector<1x128xf32> to vector<1000x128xf32>
    %add3A_479 = arith.addf %dot_general3A_472, %add3A_478 : vector<1000x128xf32>
    %logistic3A_480 = arith.negf %add3A_479 : vector<1000x128xf32>
    %logistic3A_481 = math.exp %logistic3A_480 : vector<1000x128xf32>
    %logistic3A_482 = arith.constant 1.000000e+00 : f32
    %logistic3A_483 = vector.broadcast %logistic3A_482 : f32 to vector<1000x128xf32>
    %logistic3A_484 = arith.addf %logistic3A_483, %logistic3A_481 : vector<1000x128xf32>
    %logistic3A_485 = arith.divf %logistic3A_483, %logistic3A_484 : vector<1000x128xf32>
    %mul3A_486 = arith.mulf %add3A_479, %logistic3A_485 : vector<1000x128xf32>
    %get3A_487 = arith.constant 2 : index
    %get3A_488 = arith.constant 0 : index
    %get3A_489 = arith.constant 0 : index
    %get3A_490 = vector.load %arg11[%get3A_487, %get3A_488, %get3A_489] : memref<3x128x128xf32, #tpu.memory_space<vmem>>, vector<1x128x128xf32>
    %get3A_491 = vector.shape_cast %get3A_490 : vector<1x128x128xf32> to vector<128x128xf32>
    %dot_general3A_492 = arith.constant dense<0.000000e+00> : vector<1000x128xf32>
    %dot_general3A_493 = tpu.matmul %mul3A_486, %get3A_491, %dot_general3A_492 {dimension_numbers = #tpu.dot_dimension_numbers<[1], [0], [0], [1], [0, 0, 1, 1], [], []>, transpose_lhs_hint = false} : vector<1000x128xf32>, vector<128x128xf32>, vector<1000x128xf32> -> vector<1000x128xf32>
    %add3A_494 = arith.addf %add3A_338, %dot_general3A_493 : vector<1000x128xf32>
    %get3A_495 = arith.constant 2 : index
    %get3A_496 = arith.constant 0 : index
    %get3A_497 = arith.constant 0 : index
    %get3A_498 = vector.load %arg12[%get3A_495, %get3A_496, %get3A_497] : memref<3x1x128xf32, #tpu.memory_space<vmem>>, vector<1x1x128xf32>
    %get3A_499 = vector.shape_cast %get3A_498 : vector<1x1x128xf32> to vector<1x128xf32>
    %add3A_500 = vector.broadcast %get3A_499 : vector<1x128xf32> to vector<1000x128xf32>
    %add3A_501 = arith.addf %add3A_494, %add3A_500 : vector<1000x128xf32>
    %get3A_502 = arith.constant 2 : index
    %get3A_503 = arith.constant 0 : index
    %get3A_504 = arith.constant 0 : index
    %get3A_505 = vector.load %arg13[%get3A_502, %get3A_503, %get3A_504] : memref<3x144x144xf32, #tpu.memory_space<vmem>>, vector<1x144x144xf32>
    %get3A_506 = vector.shape_cast %get3A_505 : vector<1x144x144xf32> to vector<144x144xf32>
    %dot_general3A_507 = arith.constant dense<0.000000e+00> : vector<1000x144xf32>
    %dot_general3A_508 = tpu.matmul %add3A_463, %get3A_506, %dot_general3A_507 {dimension_numbers = #tpu.dot_dimension_numbers<[1], [0], [0], [1], [0, 0, 1, 1], [], []>, transpose_lhs_hint = false} : vector<1000x144xf32>, vector<144x144xf32>, vector<1000x144xf32> -> vector<1000x144xf32>
    %add3A_509 = arith.addf %add3A_346, %dot_general3A_508 : vector<1000x144xf32>
    %swap3A = arith.constant 0 : index
    %swap3A_510 = arith.constant 0 : index
    %swap3A_511 = vector.load %arg14[%swap3A, %swap3A_510] : memref<1000x128xf32, #tpu.memory_space<vmem>>, vector<1000x128xf32>
    tpu.vector_store %arg14[%swap3A, %swap3A_510], %add3A_501 {strides = array<i32>} : memref<1000x128xf32, #tpu.memory_space<vmem>>, vector<1000x128xf32>,
    %swap3A_512 = arith.constant 0 : index
    %swap3A_513 = arith.constant 0 : index
    %swap3A_514 = vector.load %arg15[%swap3A_512, %swap3A_513] : memref<1000x144xf32, #tpu.memory_space<vmem>>, vector<1000x144xf32>
    tpu.vector_store %arg15[%swap3A_512, %swap3A_513], %add3A_509 {strides = array<i32>} : memref<1000x144xf32, #tpu.memory_space<vmem>>, vector<1000x144xf32>,
    return
  }
  func.func @transform_0(%arg0: i32) -> (i32, i32, i32) {
    %c0_i32 = arith.constant 0 : i32
    %c0_i32_0 = arith.constant 0 : i32
    %c0_i32_1 = arith.constant 0 : i32
    return %c0_i32, %arg0, %c0_i32_0 : i32, i32, i32
  }
  func.func @transform_1(%arg0: i32) -> (i32, i32, i32) {
    %c1_i32 = arith.constant 1 : i32
    %c0_i32 = arith.constant 0 : i32
    %c0_i32_0 = arith.constant 0 : i32
    return %c1_i32, %arg0, %c0_i32 : i32, i32, i32
  }
  func.func @transform_2(%arg0: i32) -> (i32, i32) {
    %c0_i32 = arith.constant 0 : i32
    %c0_i32_0 = arith.constant 0 : i32
    return %arg0, %c0_i32 : i32, i32
  }
  func.func @transform_3(%arg0: i32) -> (i32, i32) {
    %c0_i32 = arith.constant 0 : i32
    %c0_i32_0 = arith.constant 0 : i32
    return %arg0, %c0_i32 : i32, i32
  }
  func.func @transform_4(%arg0: i32) -> (i32, i32) {
    %c0_i32 = arith.constant 0 : i32
    %c0_i32_0 = arith.constant 0 : i32
    %c0_i32_1 = arith.constant 0 : i32
    return %c0_i32, %c0_i32_0 : i32, i32
  }
  func.func @transform_5(%arg0: i32) -> (i32, i32) {
    %c0_i32 = arith.constant 0 : i32
    %c0_i32_0 = arith.constant 0 : i32
    %c0_i32_1 = arith.constant 0 : i32
    return %c0_i32, %c0_i32_0 : i32, i32
  }
  func.func @transform_6(%arg0: i32) -> (i32, i32, i32) {
    %c0_i32 = arith.constant 0 : i32
    %c0_i32_0 = arith.constant 0 : i32
    %c0_i32_1 = arith.constant 0 : i32
    %c0_i32_2 = arith.constant 0 : i32
    return %c0_i32, %c0_i32_0, %c0_i32_1 : i32, i32, i32
  }
  func.func @transform_7(%arg0: i32) -> (i32, i32, i32, i32) {
    %c0_i32 = arith.constant 0 : i32
    %c0_i32_0 = arith.constant 0 : i32
    %c0_i32_1 = arith.constant 0 : i32
    %c0_i32_2 = arith.constant 0 : i32
    %c0_i32_3 = arith.constant 0 : i32
    return %c0_i32, %c0_i32_0, %c0_i32_1, %c0_i32_2 : i32, i32, i32, i32
  }
  func.func @transform_8(%arg0: i32) -> (i32, i32, i32) {
    %c0_i32 = arith.constant 0 : i32
    %c0_i32_0 = arith.constant 0 : i32
    %c0_i32_1 = arith.constant 0 : i32
    %c0_i32_2 = arith.constant 0 : i32
    return %c0_i32, %c0_i32_0, %c0_i32_1 : i32, i32, i32
  }
  func.func @transform_9(%arg0: i32) -> (i32, i32, i32) {
    %c0_i32 = arith.constant 0 : i32
    %c0_i32_0 = arith.constant 0 : i32
    %c0_i32_1 = arith.constant 0 : i32
    %c0_i32_2 = arith.constant 0 : i32
    return %c0_i32, %c0_i32_0, %c0_i32_1 : i32, i32, i32
  }
  func.func @transform_10(%arg0: i32) -> (i32, i32, i32) {
    %c0_i32 = arith.constant 0 : i32
    %c0_i32_0 = arith.constant 0 : i32
    %c0_i32_1 = arith.constant 0 : i32
    %c0_i32_2 = arith.constant 0 : i32
    return %c0_i32, %c0_i32_0, %c0_i32_1 : i32, i32, i32
  }
  func.func @transform_11(%arg0: i32) -> (i32, i32, i32) {
    %c0_i32 = arith.constant 0 : i32
    %c0_i32_0 = arith.constant 0 : i32
    %c0_i32_1 = arith.constant 0 : i32
    %c0_i32_2 = arith.constant 0 : i32
    return %c0_i32, %c0_i32_0, %c0_i32_1 : i32, i32, i32
  }
  func.func @transform_12(%arg0: i32) -> (i32, i32, i32) {
    %c0_i32 = arith.constant 0 : i32
    %c0_i32_0 = arith.constant 0 : i32
    %c0_i32_1 = arith.constant 0 : i32
    %c0_i32_2 = arith.constant 0 : i32
    return %c0_i32, %c0_i32_0, %c0_i32_1 : i32, i32, i32
  }
  func.func @transform_13(%arg0: i32) -> (i32, i32) {
    %c0_i32 = arith.constant 0 : i32
    %c0_i32_0 = arith.constant 0 : i32
    return %arg0, %c0_i32 : i32, i32
  }
  func.func @transform_14(%arg0: i32) -> (i32, i32) {
    %c0_i32 = arith.constant 0 : i32
    %c0_i32_0 = arith.constant 0 : i32
    return %arg0, %c0_i32 : i32, i32
  }
}

</mosaic_0001>

<sc_bundles>
// kernel: kernel.7.cloned.1.call-start
scs
__scs_entry_jumppad:
0x0: {  	(pc) =	sbr.rel $0x88, $3  }
0x1: {  	(tag) =	ssettag $0x0;
	lr =	simm.s32 $0x1  }
0x2: {  	[smem:$0x3F7D] =	sst lr;
	_ =	strace $0xD0000000  }
0x3: {  	_ = 	snop  }
0x4: {  	_ = 	snop  }
0x5: {  	_ = 	snop  }
0x6: {  	_ = 	snop  }
0x7: {  	_ = 	snop  }
__scs_overlays_trampoline_lowered:
0x8: {  	[smem:$0x3F8C] =	sst s0  }
0x9: {  	[smem:$0x3F8D] =	sst s1  }
0xa: {  	[smem:$0x3F8E] =	sst s2  }
0xb: {  	[smem:$0x3F8F] =	sst s3  }
0xc: {  	[smem:$0x3F90] =	sst s4  }
0xd: {  	[smem:$0x3F91] =	sst s5  }
0xe: {  	[smem:$0x3F92] =	sst s6  }
0xf: {  	[smem:$0x3F93] =	sst s7  }
0x10: {  	[smem:$0x3F94] =	sst s8  }
0x11: {  	[smem:$0x3F95] =	sst s9;
	s0 =	simm.s32 @!p0 $0x0  }
0x12: {  	s1 =	sld [smem:$0x3F7B];
	s0 =	simm.s32 @p0 $0x1  }
0x13: {  	[smem:$0x3F96] =	sst s0;
	s0 =	simm.s32 @!p1 $0x0  }
0x14: {  	s2 =	sld [smem:$0x3F7A];
	s0 =	simm.s32 @p1 $0x1  }
0x15: {  	[smem:$0x3F97] =	sst s0;
	s0 =	simm.s32 @!p2 $0x0  }
0x16: {  	s3 =	sld [smem:$0x3FDB];
	s0 =	simm.s32 @p2 $0x1  }
0x17: {  	s4 =	simm.s32 $0x1BF5;
	[smem:$0x3F99] =	sst s0  }
0x18: {  	s0 =	sld [smem:$0x3F7C];
	_ =	swait.ge [sflag:s4], $0x0  }
0x19: {  	s7 =	sld [smem:$0x3F7D]  }
0x1a: {  	s8 =	sadd.s32 $0xFFFFE003, lr  }
0x1b: {  	s9 =	sadd.s32 $0xFFFFFEF7, lr;
	s5 =	simm.s32 $0xFFFFFFFF;
	p2 =	slt.u32 s8, $0xFFFFF086  }
0x1c: {  	p1 =	slt.u32 s9, $0xF7A;
	s5 =	simm.s32 @!p2 $0x0  }
0x1d: {  	s5 =	simm.s32 @p1 $0x1;
	p0 =	seq.s32 s7, s2  }
0x1e: {  	s7 =	smul.u32 @!p0 $0xF7A, s2;
	p2 =	seq.s32 @!p0 s5, $0x0  }
0x1f: {  	s9 =	smul.u32 $0xF7A, s1;
	s8 =	simm.s32 @!p0 $0x1BF5;
	p2 =	por !p2, p0  }
0x20: {  	[sflag:s8] =	ssyncset.s32 @!p0 $0xFFFFF086;
	s6 =	sadd.s32 @!p0 s3, s7;
	s7 =	simm.s32 @!p0 $0x108  }
0x21: {  	s3 =	sadd.s32 s3, s9;
	s6 =	sadd.s32 @!p0 $0x88, s6;
	s7 =	simm.s32 @p2 $0x1082  }
0x22: {  	[simem:s7], [sflag:s8] =	dma.local @!p0 [hbm:s6], $0xF7A  }
0x23: {  	s9 =	sor.u32 $0xD0000000, s2;
	s6 =	simm.s32 $0x108;
	_ =	swait.ge @!p0 [sflag:s8], $0x0  }
0x24: {  	s3 =	sadd.s32 $0x88, s3;
	s6 =	simm.s32 @!p1 $0x1082;
	[sflag:s4] =	ssyncset.s32 $0xFFFFF086  }
0x25: {  	[simem:s6], [sflag:s4] =	dma.local [hbm:s3], $0xF7A  }
0x26: {  	[smem:$0x3F7D] =	sst s1;
	(tag) =	ssettag s2;
	_ =	strace s9  }
0x27: {  	s1 =	sld [smem:$0x3F8D]  }
0x28: {  	s2 =	sld [smem:$0x3F8E]  }
0x29: {  	s4 =	sld [smem:$0x3F90]  }
0x2a: {  	p0 =	seq.s32 s5, $0x0;
	s5 =	sld [smem:$0x3F91]  }
0x2b: {  	s6 =	sld [smem:$0x3F92]  }
0x2c: {  	s7 =	sld [smem:$0x3F93]  }
0x2d: {  	s3 =	simm.s32 $0x108;
	s8 =	sld [smem:$0x3F94]  }
0x2e: {  	s3 =	simm.s32 @!p0 $0x1082;
	s9 =	sld [smem:$0x3F95]  }
0x2f: {  	lr =	sadd.s32 s0, s3;
	s0 =	sld [smem:$0x3F8C]  }
0x30: {  	s3 =	sld [smem:$0x3F8F]  }
0x31: {  	[smem:$0x3F98] =	sst s10  }
0x32: {  	s10 =	sld [smem:$0x3F96];
	_ =	sdelay $0x3  }
0x33: {  	p0 =	seq.s32 s10, $0x1;
	s10 =	sld [smem:$0x3F98];
	_ =	sdelay $0x3  }
0x34: {  	[smem:$0x3F98] =	sst s10  }
0x35: {  	s10 =	sld [smem:$0x3F97];
	_ =	sdelay $0x3  }
0x36: {  	p1 =	seq.s32 s10, $0x1;
	s10 =	sld [smem:$0x3F98];
	_ =	sdelay $0x3  }
0x37: {  	[smem:$0x3F98] =	sst s10  }
0x38: {  	s10 =	sld [smem:$0x3F99]  }
0x39: {  	_ = 	snop;
	(pc) =	sbr.ind lr, $3  }
0x3a: {  	_ = 	snop  }
0x3b: {  	_ = 	snop  }
0x3c: {  	p2 =	seq.s32 s10, $0x1;
	s10 =	sld [smem:$0x3F98]  }
0x3d: {  	_ =	shalt  }
0x3e: {  	_ =	shalt  }
0x3f: {  	_ =	shalt  }
0x40: {  	_ =	shalt  }
0x41: {  	_ =	shalt  }
0x42: {  	_ =	shalt  }
0x43: {  	_ =	shalt  }
0x44: {  	_ =	shalt  }
0x45: {  	_ =	shalt  }
0x46: {  	_ =	shalt  }
0x47: {  	_ =	shalt  }
0x48: {  	_ =	shalt  }
0x49: {  	_ =	shalt  }
0x4a: {  	_ =	shalt  }
0x4b: {  	_ =	shalt  }
0x4c: {  	_ =	shalt  }
0x4d: {  	_ =	shalt  }
0x4e: {  	_ =	shalt  }
0x4f: {  	_ =	shalt  }
0x50: {  	_ =	shalt  }
0x51: {  	_ =	shalt  }
0x52: {  	_ =	shalt  }
0x53: {  	_ =	shalt  }
0x54: {  	_ =	shalt  }
0x55: {  	_ =	shalt  }
0x56: {  	_ =	shalt  }
0x57: {  	_ =	shalt  }
0x58: {  	_ =	shalt  }
0x59: {  	_ =	shalt  }
0x5a: {  	_ =	shalt  }
0x5b: {  	_ =	shalt  }
0x5c: {  	_ =	shalt  }
0x5d: {  	_ =	shalt  }
0x5e: {  	_ =	shalt  }
0x5f: {  	_ =	shalt  }
0x60: {  	_ =	shalt  }
0x61: {  	_ =	shalt  }
0x62: {  	_ =	shalt  }
0x63: {  	_ =	shalt  }
0x64: {  	_ =	shalt  }
0x65: {  	_ =	shalt  }
0x66: {  	_ =	shalt  }
0x67: {  	_ =	shalt  }
0x68: {  	_ =	shalt  }
0x69: {  	_ =	shalt  }
0x6a: {  	_ =	shalt  }
0x6b: {  	_ =	shalt  }
0x6c: {  	_ =	shalt  }
0x6d: {  	_ =	shalt  }
0x6e: {  	_ =	shalt  }
0x6f: {  	_ =	shalt  }
0x70: {  	_ =	shalt  }
0x71: {  	_ =	shalt  }
0x72: {  	_ =	shalt  }
0x73: {  	_ =	shalt  }
0x74: {  	_ =	shalt  }
0x75: {  	_ =	shalt  }
0x76: {  	_ =	shalt  }
0x77: {  	_ =	shalt  }
0x78: {  	_ =	shalt  }
0x79: {  	_ =	shalt  }
0x7a: {  	_ =	shalt  }
0x7b: {  	_ =	shalt  }
0x7c: {  	_ =	shalt  }
0x7d: {  	_ =	shalt  }
0x7e: {  	_ =	shalt  }
0x7f: {  	_ =	shalt  }
0x80: {  	_ =	shalt  }
0x81: {  	_ =	shalt  }
0x82: {  	_ =	shalt  }
0x83: {  	_ =	shalt  }
0x84: {  	_ =	shalt  }
0x85: {  	_ =	shalt  }
0x86: {  	_ =	shalt  }
0x87: {  	_ =	shalt  }
.Lfunc_end0:
.L_simem_size_0:
called_computation_lowered:
.L_overlay_start_0:
0x88: {  	s2 =	sld [smem:$0x3FD9]  }
0x89: {  	s3 =	sld [smem:$0x3FFE];
	_ =	sdelay $0x1  }
0x8a: {  	s1 =	srdreg.scid  }
0x8b: {  	s0 =	sand.u32 $0x1, s1  }
0x8c: {  	s14 =	sshll.u32 s0, $0xA;
	s2 =	sadd.s32 s3, s2  }
0x8d: {  	s2 =	sadd.s32 s2, s14  }
0x8e: {  	[smem:$0x3FA4] =	sst s2  }
0x8f: {  	_ = 	snop  }
0x90: {  	s2 =	sld [smem:$0x3FD0];
	_ =	sdelay $0x1  }
0x91: {  	s15 =	sld [smem:$0x3FC8]  }
0x92: {  	s5 =	simm.s32 $0xA;
	s6 =	simm.s32 $0x10;
	s4 =	sld [smem:$0x3FC7]  }
0x93: {  	[smem:s6], [sflag:s5] =	dma.local [hbm:s2], $0x1  }
0x94: {  	_ =	swait.eq [sflag:s5], $0x1  }
0x95: {  	[sflag:s5] =	ssyncset.done $0x0  }
0x96: {  	[sflag:s5] =	ssyncadd.s32 $0xFFFFFFFF  }
0x97: {  	s16 =	sld [smem:$0x10];
	(tm) =	ssettm $0x1  }
0x98: {  	s17 =	sld [smem:$0x3FFB];
	_ =	sdelay $0x3  }
0x99: {  	_ =	strace s17  }
0x9a: {  	s5 =	sld [smem:$0x3FFC];
	_ =	sdelay $0x3  }
0x9b: {  	_ =	strace s5  }
0x9c: {  	s5 =	sld [smem:$0x3FFD];
	_ =	sdelay $0x3  }
0x9d: {  	_ =	strace s5  }
0x9e: {  	_ =	strace $0x8FFFFFFF  }
0x9f: {  	s18 =	sld [smem:$0x3FDB];
	_ =	sdelay $0x1  }
0xa0: {  	s19 =	simm.s32 $_scs_section_size  }
0xa1: {  	s7 =	simm.s32 $_size__tile_overlayer_lowered;
	s8 =	simm.s32 $_tile_overlayer_lowered  }
0xa2: {  	s22 =	simm.s32 $0x1BFF;
	s21 =	sshll.u32 s8, $0x1;
	s5 =	sadd.s32 s19, s18  }
0xa3: {  	s9 =	simm.s32 $0x0;
	s20 =	sshll.u32 s7, $0x1;
	s7 =	sadd.s32 s21, s5  }
0xa4: {  	[timem:s9], [sflag:s22] =	dma.local [hbm:s7], s20  }
0xa5: {  	_ =	swait.ge [sflag:s22], s20  }
0xa6: {  	s6 =	ssub.s32 $0x0, s20;
	[sflag:s22] =	ssyncset.done $0x0  }
0xa7: {  	[sflag:s22] =	ssyncadd.s32 s6;
	_ =	sdelay $0x1  }
0xa8: {  	s23 =	simm.s32 $0x1B8B  }
0xa9: {  	_ =	swait.ge [sflag:s23], $0x1  }
0xaa: {  	[sflag:s23] =	ssyncset.done $0x0  }
0xab: {  	s25 =	simm.s32 $0x1B8E;
	s24 =	sld [smem:$0x3FFE];
	[sflag:s23] =	ssyncadd.s32 $0xFFFFFFFF  }
0xac: {  	s26 =	simm.s32 $execute0_lowered;
	[smem:$0x3FD2] =	sst s25  }
0xad: {  	s7 =	sshll.u32 s26, $0x1;
	_ =	strace $0x80000046;
	[dreg:$0x1] =	wrdreg $0xFFFFFFFF  }
0xae: {  	s28 =	simm.s32 $_size_execute0_lowered;
	s5 =	sadd.s32 s5, s7;
	[dreg:$0x0] =	wrdreg $0x0  }
0xaf: {  	s7 =	sshll.u32 s28, $0x1;
	[dreg:$0x2] =	wrdreg s5  }
0xb0: {  	[dreg:$0x3] =	wrdreg s7  }
0xb1: {  	[dreg:$0x4] =	wrdreg $0xC0  }
0xb2: {  	_ =	task [dreg:s9], $0x5FFFF  }
0xb3: {  	[dreg:$0x1] =	wrdreg $0xFFFFFFFF  }
0xb4: {  	[dreg:$0x0] =	wrdreg $0x60  }
0xb5: {  	[dreg:$0x2] =	wrdreg s15  }
0xb6: {  	[dreg:$0x3] =	wrdreg s4  }
0xb7: {  	[dreg:$0x4] =	wrdreg s16  }
0xb8: {  	[dreg:$0x5] =	wrdreg s24  }
0xb9: {  	[dreg:$0x6] =	wrdreg $0x104000  }
0xba: {  	[dreg:$0x7] =	wrdreg $0x9  }
0xbb: {  	_ =	task.clear_ibuf [dreg:s9], $0x8FFFF;
	_ =	strace $0x90000046  }
0xbc: {  	s29 =	simm.s32 $0x9;
	_ =	strace $0x80000048  }
0xbd: {  	_ =	swait.ge [sflag:s29], $0x1  }
0xbe: {  	[sflag:s29] =	ssyncadd.s32 $0xFFFFFFFF  }
0xbf: {  	_ =	strace $0x90000048  }
0xc0: {  	_ =	sfence  }
0xc1: {  	s30 =	sld [smem:$0x0];
	_ =	sdelay $0x2  }
0xc2: {  	s31 =	sshll.u32 s1, $0xD;
	s1 =	sshrl.u32 s1, $0x2  }
0xc3: {  	s3 =	sand.u32 $0x4000, s31;
	s1 =	sadd.s32 s1, s30  }
0xc4: {  	s0 =	sor.u32 s3, s0;
	s1 =	sshll.u32 s1, $0x11  }
0xc5: {  	s0 =	sor.u32 s1, s0  }
0xc6: {  	s0 =	sadd.s32 $0x8F2B, s0  }
0xc7: {  	[sflag:s0] =	ssyncadd.remote.s32 $0x1  }
0xc8: {  	_ =	sfence.sel $0xFFFF  }
0xc9: {  	[dreg:$0x0] =	wrdreg $0xFFFFFFFF;
	(pc) =	sbr.abs _section_cstart, $3  }
0xca: {  	[dreg:$0x1] =	wrdreg $0xFFFFFFFF  }
0xcb: {  	_ =	task.clear_ibuf [dreg:s9], $0x2FFFF;
	_ =	strace $0x9FFFFFFF  }
0xcc: {  	(tm) =	ssettm $0x7FFFFFFF  }
0xcd: {  	_ =	shalt  }
tec
execute0_lowered:
.L_overlay_start_1:
0x0: {  	(tag) =	ssettag $0x1  }
0x1: {  	s3 =	rddreg [dreg:$0x2]  }
0x2: {  	s0 =	rddreg [dreg:$0x3]  }
0x3: {  	s5 =	rddreg [dreg:$0x4]  }
0x4: {  	s1 =	srdreg.scid;
	s4 =	stileid.u32  }
0x5: {  	s6 =	simm.s32 $0x0;
	s13 =	simm.s32 $0x6400;
	s14 =	simm.s32 $0x3  }
0x6: {  	s15 =	simm.s32 $0x200;
	s16 =	simm.s32 $0x80;
	s17 =	simm.s32 $0x400  }
0x7: {  	s18 =	simm.s32 $0x280;
	s19 =	simm.s32 $0xC00;
	s20 =	simm.s32 $0x300  }
0x8: {  	s21 =	simm.s32 $0x1400;
	s22 =	simm.s32 $0x380;
	s23 =	simm.s32 $0x1C00  }
0x9: {  	s28 =	simm.s32 $0x2;
	s29 =	simm.s32 $0x8C00;
	s30 =	simm.s32 $0x100  }
0xa: {  	s31 =	simm.s32 $0xB400;
	s1 =	sand.u32 $0x1, s1;
	s2 =	smul.u32 $0xC800, s4  }
0xb: {  	[smem:$0x7FF] =	sst s6;
	s10 =	smul.u32 $0x32000, s4;
	s8 =	sadd.s32 $0x583400, s0  }
0xc: {  	s7 =	sadd.s32 $0x5000, s0;
	s9 =	smul.u32 $0xC8000, s1;
	_ =	strace $0x80000047  }
0xd: {  	s11 =	ssub.s32 $0x2, s1;
	p0 =	seq.s32 s1, $0x1;
	s10 =	sshrl.u32 s10, $0x2  }
0xe: {  	s24 =	sshrl.u32 s11, $0x1;
	s6 =	sadd.s32 s2, s5;
	s9 =	sadd.s32 s2, s9  }
0xf: {  	s10 =	sadd.s32 s10, s5;
	[dreg:$0x6] =	wrdreg s6;
	s9 =	sshrl.u32 s9, $0x3  }
.Ltmp0:
0x10: {  	s25 =	sadd.s32 $0xA000, s10;
	s10 =	simm.s32 $0xDC00;
	(pc) =	sbr.rel .LBB2_1-.Ltmp0, $4  }
0x11: {  	s0 =	sadd.s32 s9, s0;
	s9 =	ssub.s32 s11, s24;
	[dreg:$0x7] =	wrdreg s25  }
0x12: {  	s24 =	simm.s32 $0x2400;
	s25 =	simm.s32 $0x4400;
	s0 =	sadd.s32 $0xA1400, s0  }
0x13: {  	s11 =	simm.s32 $0x0;
	s26 =	smax.u32 s9, $0x1;
	[dreg:$0x8] =	wrdreg s0  }
0x14: {  	v0 =	vimm.f32 $0.0e+00;
	[dreg:$0x9] =	wrdreg s26;
	s26 =	simm.s32 $0x1;
	s0 =	simm.s32 $0x180  }
.LBB2_14:
0x15: {  	[bflag:$0x0] =	sbarrier.arrive $0xFFFF  }
0x16: {  	s1 =	sshll.u32 s4, $0x6;
	s6 =	rddreg [dreg:$0x6]  }
0x17: {  	s1 =	sor.u32 $0x1C03, s1;
	s9 =	rddreg [dreg:$0x8];
	s2 =	sshrl.u32 s6, $0x3  }
0x18: {  	[hbm:s9], [sflag:s1] =	dma.local [spmem:s2], $0x1900  }
0x19: {  	_ =	swait.ge [sflag:s14], $0x1900  }
0x1a: {  	s11 =	sadd.s32 $0x1, s11;
	s12 =	rddreg [dreg:$0x9]  }
0x1b: {  	p1 =	sne.s32 s11, s12  }
.Ltmp1:
0x1c: {  	_ = 	snop;
	(pc) =	sbr.rel @!p1 .LBB2_15-.Ltmp1, $3  }
0x1d: {  	_ =	sdelay $0x1  }
0x1e: {  	[sflag:s14] =	ssyncset.done $0x0  }
0x1f: {  	[sflag:s14] =	ssyncadd.s32 $0xFFFFE700  }
.LBB2_1:
0x20: {  	s2 =	simm.s32 $0x140;
	s1 =	simm.s32 $0x0  }
.LBB2_2:
0x21: {  	p1 =	sne.s32 s2, $0x27EC0;
	[tilespmem:s1+$0x6440] =	vst v0;
	s9 =	smov.u32 s2;
	s2 =	sadd.s32 $0x140, s2  }
.Ltmp2:
0x22: {  	[tilespmem:s1+$0x6430] =	vst v0;
	(pc) =	sbr.rel @p1 .LBB2_2-.Ltmp2, $4  }
0x23: {  	[tilespmem:s1+$0x6420] =	vst v0  }
0x24: {  	[tilespmem:s1+$0x6400] =	vst v0  }
0x25: {  	[tilespmem:s1+$0x6410] =	vst v0  }
0x26: {  	s1 =	sshra.s32 s9, $0x2  }
0x27: {  	[tilespmem:s1+$0x6440] =	vst v0  }
0x28: {  	[tilespmem:s1+$0x6430] =	vst v0  }
0x29: {  	[tilespmem:s1+$0x6420] =	vst v0  }
0x2a: {  	[tilespmem:s1+$0x6400] =	vst v0  }
0x2b: {  	[tilespmem:s1+$0x6410] =	vst v0  }
0x2c: {  	[spmem:s6] =	stream.linear.scatter [tilespmem:s13], [sflag:$0x3], $0xA000, $0x38;
	[tilespmem:$0x1CC00] =	vst v63  }
0x2d: {  	_ =	swait.ge [sflag:s14], $0xA000  }
0x2e: {  	[sflag:s14] =	ssyncset.done $0x0  }
0x2f: {  	s12 =	rddreg [dreg:$0x7];
	[sflag:s14] =	ssyncadd.s32 $0xFFFF6000  }
0x30: {  	[spmem:s12] =	stream.linear.scatter [tilespmem:s13], [sflag:$0x3], $0x2800, $0x38;
	[tilespmem:$0x1CC00] =	vst v63  }
.Ltmp3:
0x31: {  	_ =	swait.ge [sflag:s14], $0x2800;
	(pc) =	sbr.rel .LBB2_4-.Ltmp3, $4  }
0x32: {  	[sflag:s14] =	ssyncset.done $0x0  }
0x33: {  	[sflag:s14] =	ssyncadd.s32 $0xFFFFD800  }
0x34: {  	[bflag:$0x0] =	sbarrier.arrive $0xFFFF  }
0x35: {  	s12 =	simm.s32 $0x0  }
.LBB2_8:
0x36: {  	v5 =	vmul.f32 v5, v1  }
0x37: {  	v2 =	vmul.f32 v2, v1  }
0x38: {  	v4 =	vmul.f32 v4, v1;
	[tilespmem:s1+$0xFFFFFFE0] =	vst v5  }
0x39: {  	v1 =	vmul.f32 v3, v1;
	[tilespmem:s1+$0x10] =	vst v2  }
0x3a: {  	[tilespmem:s1+$0xFFFFFFF0] =	vst v4  }
0x3b: {  	[tilespmem:s1+$0x0] =	vst v1  }
.LBB2_12:
0x3c: {  	s1 =	simm.s32 $0x0  }
0x3d: {  	[spmem:s5] =	stream.indirect.scatter.add.f32 [tilespmem:s13], [sflag:$0x2], $0x50, s1, s16, $0xb8;
	[tilespmem:$0x1CC00] =	vst v63  }
0x3e: {  	_ = 	snop  }
0x3f: {  	[spmem:s5] =	stream.indirect.scatter.add.f32 [tilespmem:s29], [sflag:$0x2], $0x50, s16, s16, $0xb8;
	[tilespmem:$0x1CC00] =	vst v63  }
0x40: {  	_ = 	snop  }
0x41: {  	[spmem:s5] =	stream.indirect.scatter.add.f32 [tilespmem:s31], [sflag:$0x2], $0x50, s30, s16, $0xb8;
	[tilespmem:$0x1CC00] =	vst v63  }
0x42: {  	_ = 	snop  }
0x43: {  	[spmem:s5] =	stream.indirect.scatter.add.f32 [tilespmem:s10], [sflag:$0x2], $0x50, s0, s16, $0xb8;
	[tilespmem:$0x1CC00] =	vst v63  }
0x44: {  	_ =	swait.ge [sflag:s28], $0x2800  }
0x45: {  	[sflag:s28] =	ssyncset.done $0x0  }
0x46: {  	[sflag:s28] =	ssyncadd.s32 $0xFFFFD800  }
0x47: {  	_ =	swait.ge [sflag:s28], $0x2800  }
0x48: {  	[sflag:s28] =	ssyncset.done $0x0  }
0x49: {  	[sflag:s28] =	ssyncadd.s32 $0xFFFFD800  }
0x4a: {  	_ =	swait.ge [sflag:s28], $0x2800  }
0x4b: {  	[sflag:s28] =	ssyncset.done $0x0  }
0x4c: {  	[sflag:s28] =	ssyncadd.s32 $0xFFFFD800  }
0x4d: {  	_ =	swait.ge [sflag:s28], $0x2800  }
0x4e: {  	[sflag:s28] =	ssyncset.done $0x0  }
0x4f: {  	[sflag:s28] =	ssyncadd.s32 $0xFFFFD800  }
.LBB2_13:
0x50: {  	s12 =	sadd.s32 $0x1, s12  }
0x51: {  	p1 =	sne.s32 s12, $0x28  }
.Ltmp4:
0x52: {  	_ = 	snop;
	(pc) =	sbr.rel @!p1 .LBB2_14-.Ltmp4, $1  }
0x53: {  	_ =	sdelay $0x3  }
.LBB2_4:
0x54: {  	s1 =	sshll.u32 s12, $0x4  }
0x55: {  	s1 =	sor.u32 s4, s1  }
0x56: {  	p1 =	sgt.u32 s1, $0x270  }
.Ltmp5:
0x57: {  	_ = 	snop;
	(pc) =	sbr.rel @p1 .LBB2_13-.Ltmp5, $1  }
0x58: {  	_ =	sdelay $0x3  }
0x59: {  	s2 =	sshll.u32 s1, $0x6;
	s6 =	rddreg [dreg:$0x1]  }
0x5a: {  	s9 =	sadd.s32 s6, s2;
	s6 =	simm.s32 $0x0  }
0x5b: {  	[tilespmem:s15], [sflag:$0x3] =	stream.linear.gather [hbm4b:s9+s6], $0x200, $0x38;
	[tilespmem:$0x1CC00] =	vst v63  }
0x5c: {  	_ =	swait.ge [sflag:s14], $0x200  }
0x5d: {  	[sflag:s14] =	ssyncset.done $0x0  }
0x5e: {  	[sflag:s14] =	ssyncadd.s32 $0xFFFFFE00  }
0x5f: {  	[tilespmem:s17], [sflag:$0x1] =	stream.indirect.gather [hbm4b:s3+s16], $0x10, s15, s16, $0xb8;
	[tilespmem:$0x1CC00] =	vst v63  }
0x60: {  	_ = 	snop  }
0x61: {  	[tilespmem:s19], [sflag:$0x1] =	stream.indirect.gather [hbm4b:s3+s16], $0x10, s18, s16, $0xb8;
	[tilespmem:$0x1CC00] =	vst v63  }
0x62: {  	_ = 	snop  }
0x63: {  	[tilespmem:s21], [sflag:$0x1] =	stream.indirect.gather [hbm4b:s3+s16], $0x10, s20, s16, $0xb8;
	[tilespmem:$0x1CC00] =	vst v63  }
0x64: {  	s9 =	rddreg [dreg:$0x0]  }
0x65: {  	[tilespmem:s23], [sflag:$0x1] =	stream.indirect.gather [hbm4b:s3+s16], $0x10, s22, s16, $0xb8;
	[tilespmem:$0x1CC00] =	vst v63  }
0x66: {  	s1 =	sshll.u32 s1, $0xA;
	s2 =	sadd.s32 s9, s2  }
0x67: {  	[tilespmem:s6], [sflag:$0x2] =	stream.linear.gather [hbm4b:s2+s6], $0x200, $0x38;
	[tilespmem:$0x1CC00] =	vst v63  }
0x68: {  	s9 =	sadd.s32 s7, s1  }
0x69: {  	[tilespmem:s24], [sflag:$0x2] =	stream.linear.gather [hbm4b:s9+s6], $0x2000, $0x38;
	[tilespmem:$0x1CC00] =	vst v63  }
0x6a: {  	s1 =	sadd.s32 s8, s1  }
0x6b: {  	[tilespmem:s25], [sflag:$0x2] =	stream.linear.gather [hbm4b:s1+s6], $0x2000, $0x38;
	[tilespmem:$0x1CC00] =	vst v63  }
0x6c: {  	_ =	swait.ge [sflag:s26], $0x800  }
0x6d: {  	[sflag:s26] =	ssyncset.done $0x0  }
0x6e: {  	[sflag:s26] =	ssyncadd.s32 $0xFFFFF800  }
0x6f: {  	_ =	swait.ge [sflag:s26], $0x800  }
0x70: {  	[sflag:s26] =	ssyncset.done $0x0  }
0x71: {  	[sflag:s26] =	ssyncadd.s32 $0xFFFFF800  }
0x72: {  	_ =	swait.ge [sflag:s26], $0x800  }
0x73: {  	[sflag:s26] =	ssyncset.done $0x0  }
0x74: {  	[sflag:s26] =	ssyncadd.s32 $0xFFFFF800  }
0x75: {  	_ =	swait.ge [sflag:s26], $0x800  }
0x76: {  	[sflag:s26] =	ssyncset.done $0x0  }
0x77: {  	[sflag:s26] =	ssyncadd.s32 $0xFFFFF800  }
0x78: {  	_ =	swait.ge [sflag:s28], $0x200  }
0x79: {  	[sflag:s28] =	ssyncset.done $0x0  }
0x7a: {  	[sflag:s28] =	ssyncadd.s32 $0xFFFFFE00  }
0x7b: {  	_ =	swait.ge [sflag:s28], $0x2000  }
.Ltmp6:
0x7c: {  	[sflag:s28] =	ssyncset.done $0x0;
	(pc) =	sbr.rel @!p0 .LBB2_6-.Ltmp6, $4  }
0x7d: {  	[sflag:s28] =	ssyncadd.s32 $0xFFFFE000  }
0x7e: {  	_ =	swait.ge [sflag:s28], $0x2000  }
0x7f: {  	[sflag:s28] =	ssyncset.done $0x0  }
0x80: {  	s9 =	simm.s32 $0x6420;
	s1 =	simm.s32 $0x0;
	[sflag:s28] =	ssyncadd.s32 $0xFFFFE000  }
0x81: {  	v5 =	vld [tilespmem:s1+$0x4400]  }
0x82: {  	v3 =	vld [tilespmem:s1+$0x400]  }
0x83: {  	v6 =	vld [tilespmem:s1+$0x2400];
	_ =	sdelay $0x3  }
0x84: {  	v4 =	vbroadcast v5, $0x4;
	v2 =	vbroadcast v5, $0x8  }
0x85: {  	v1 =	vbroadcast v5, $0x6;
	v3 =	vmul.f32 v6, v3  }
0x86: {  	s2 =	simm.s32 $0x40;
	s1 =	simm.s32 $0x6420;
	v6 =	vbroadcast v5, $0x7;
	v5 =	vbroadcast v5, $0x5  }
.LBB2_10:
0x87: {  	p1 =	sne.s32 s2, $0x7FC0  }
0x88: {  	v4 =	vmul.f32 v4, v3;
	v6 =	vmul.f32 v6, v3;
	s9 =	sadd.s32 $0x50, s9;
	s6 =	smov.u32 s2;
	s2 =	sadd.s32 $0x40, s2  }
0x89: {  	v2 =	vmul.f32 v2, v3;
	v5 =	vmul.f32 v5, v3  }
0x8a: {  	v1 =	vmul.f32 v1, v3;
	[tilespmem:s1+$0xFFFFFFE0] =	vst v4  }
0x8b: {  	[tilespmem:s1+$0x10] =	vst v6  }
0x8c: {  	[tilespmem:s1+$0xFFFFFFF0] =	vst v5  }
0x8d: {  	[tilespmem:s1+$0x20] =	vst v2  }
0x8e: {  	s6 =	sshra.s32 s6, $0x2;
	[tilespmem:s1+$0x0] =	vst v1;
	s1 =	smov.u32 s9  }
0x8f: {  	v5 =	vld [tilespmem:s6+$0x4400]  }
0x90: {  	v3 =	vld [tilespmem:s6+$0x400]  }
0x91: {  	v6 =	vld [tilespmem:s6+$0x2400];
	_ =	sdelay $0x1  }
.Ltmp7:
0x92: {  	(pc) =	sbr.rel @p1 .LBB2_10-.Ltmp7, $4  }
0x93: {  	v4 =	vbroadcast v5, $0x4;
	v2 =	vbroadcast v5, $0x8  }
0x94: {  	v1 =	vbroadcast v5, $0x6  }
0x95: {  	v3 =	vmul.f32 v6, v3;
	v6 =	vbroadcast v5, $0x7  }
0x96: {  	v5 =	vbroadcast v5, $0x5  }
0x97: {  	v4 =	vmul.f32 v4, v3  }
0x98: {  	v6 =	vmul.f32 v6, v3  }
.Ltmp8:
0x99: {  	v2 =	vmul.f32 v2, v3;
	[tilespmem:s1+$0xFFFFFFE0] =	vst v4;
	(pc) =	sbr.rel .LBB2_12-.Ltmp8, $4  }
0x9a: {  	v1 =	vmul.f32 v1, v3;
	[tilespmem:s1+$0x10] =	vst v6  }
0x9b: {  	v5 =	vmul.f32 v5, v3;
	[tilespmem:s1+$0x20] =	vst v2  }
0x9c: {  	[tilespmem:s1+$0x0] =	vst v1  }
0x9d: {  	[tilespmem:s1+$0xFFFFFFF0] =	vst v5  }
.LBB2_6:
0x9e: {  	v3 =	vld [tilespmem:s1+$0x4400]  }
0x9f: {  	v1 =	vld [tilespmem:s1+$0x400]  }
0xa0: {  	v4 =	vld [tilespmem:s1+$0x2400];
	_ =	sdelay $0x3  }
0xa1: {  	v2 =	vbroadcast v3, $0x3  }
0xa2: {  	v1 =	vmul.f32 v4, v1;
	v5 =	vbroadcast v3, $0x0  }
0xa3: {  	s2 =	simm.s32 $0x40;
	s1 =	simm.s32 $0x6420;
	v4 =	vbroadcast v3, $0x1;
	v3 =	vbroadcast v3, $0x2  }
.LBB2_7:
0xa4: {  	p1 =	seq.s32 s2, $0x7FC0  }
0xa5: {  	v5 =	vmul.f32 v5, v1;
	v2 =	vmul.f32 v2, v1;
	s9 =	sadd.s32 $0x50, s9;
	s6 =	smov.u32 s2;
	s2 =	sadd.s32 $0x40, s2  }
0xa6: {  	v4 =	vmul.f32 v4, v1;
	v1 =	vmul.f32 v3, v1  }
0xa7: {  	[tilespmem:s1+$0xFFFFFFE0] =	vst v5  }
0xa8: {  	[tilespmem:s1+$0x10] =	vst v2  }
0xa9: {  	[tilespmem:s1+$0xFFFFFFF0] =	vst v4  }
0xaa: {  	s6 =	sshra.s32 s6, $0x2;
	[tilespmem:s1+$0x0] =	vst v1;
	s1 =	smov.u32 s9  }
0xab: {  	v3 =	vld [tilespmem:s6+$0x4400]  }
0xac: {  	v1 =	vld [tilespmem:s6+$0x400]  }
0xad: {  	v4 =	vld [tilespmem:s6+$0x2400];
	_ =	sdelay $0x1  }
.Ltmp9:
0xae: {  	(pc) =	sbr.rel @!p1 .LBB2_7-.Ltmp9, $4  }
0xaf: {  	_ = 	snop  }
0xb0: {  	v2 =	vbroadcast v3, $0x3  }
0xb1: {  	v5 =	vbroadcast v3, $0x0;
	v1 =	vmul.f32 v4, v1  }
0xb2: {  	v4 =	vbroadcast v3, $0x1;
	v3 =	vbroadcast v3, $0x2  }
.Ltmp10:
0xb3: {  	_ = 	snop;
	(pc) =	sbr.rel .LBB2_8-.Ltmp10, $1  }
0xb4: {  	_ =	sdelay $0x3  }
.LBB2_15:
0xb5: {  	_ =	sfence.sel $0x180000  }
0xb6: {  	[bflag:$0x0] =	sbarrier.arrive $0xFFFF  }
0xb7: {  	_ =	strace $0x90000047  }
0xb8: {  	[bflag:$0x2] =	sbarrier.arrive $0xFFFF  }
0xb9: {  	p0 =	sne.s32 s4, $0x0;
	s0 =	rddreg [dreg:$0x5]  }
0xba: {  	s0 =	sadd.s32 @!p0 $0x100000, s0  }
0xbb: {  	[sflag:s0] =	ssyncadd.tile.s32 @!p0 $0x1;
	_ =	shalt  }
.Lfunc_end2:
_tile_overlayer_lowered:
.L_overlay_start_2:
0xbc: {  	(tag) =	ssettag $0x2  }
0xbd: {  	s0 =	rddreg [dreg:$0x0];
	s2 =	stileid.u32  }
0xbe: {  	s1 =	rddreg [dreg:$0x1];
	p0 =	sne.s32 s2, $0x0  }
0xbf: {  	s3 =	rddreg [dreg:$0x2];
	[bflag:$0x3] =	sbarrier.arrive $0xFFFF;
	s2 =	simm.s32 @!p0 $0x1C03  }
0xc0: {  	[timem:s3], [sflag:s2] =	dma.local @!p0 [hbm:s0], s1  }
0xc1: {  	s0 =	simm.s32 @!p0 $0x3  }
0xc2: {  	_ =	swait.ge @!p0 [sflag:s0], s1  }
0xc3: {  	s1 =	ssub.s32 @!p0 $0x0, s1;
	[sflag:s0] =	ssyncset.done @!p0 $0x0  }
0xc4: {  	[sflag:s0] =	ssyncadd.s32 @!p0 s1  }
0xc5: {  	[bflag:$0x3] =	sbarrier.arrive $0xFFFF  }
0xc6: {  	_ =	shalt  }

</sc_bundles>
